<compile_context>
chip_gen: v7x
topology: tpu7x:2x2x1
jax: 0.10.2.dev20260603
libtpu: 0.0.44.dev20260713+nightly
codegen_flags: <defaults>
</compile_context>

<pallas_src>
import functools

import jax
import jax.numpy as jnp
from jax import lax
from jax.experimental import pallas as pl
from jax.experimental.pallas import tpu as pltpu
from jax.experimental.pallas import tpu_sc as plsc

N_NODES = 10000
D = 128
E = 320000
NC = 2
NS = 16
L = 16
NW = NC * NS
E_PER_W = E // NW
CH = 80
DW = D // 2
PW = DW + L
N_CH = E_PER_W // CH
G_PER_CH = CH // L
NBUF = 4

_mesh = plsc.VectorSubcoreMesh(core_axis_name="c", subcore_axis_name="s")


@functools.partial(
    pl.kernel,
    out_type=jax.ShapeDtypeStruct((E,), jnp.float32),
    mesh=_mesh,
    scratch_types=[
        pltpu.VMEM((E_PER_W,), jnp.int32),
        pltpu.VMEM((E_PER_W,), jnp.int32),
        [pltpu.VMEM((CH, PW), jnp.int32) for _ in range(NBUF)],
        [pltpu.VMEM((CH, PW), jnp.int32) for _ in range(NBUF)],
        pltpu.VMEM((E_PER_W,), jnp.float32),
        [pltpu.SemaphoreType.DMA for _ in range(NBUF)],
        [pltpu.SemaphoreType.DMA for _ in range(NBUF)],
    ],
    compiler_params=pltpu.CompilerParams(needs_layout_passes=False, use_tc_tiling_on_sc=False),
)
def _score_kernel(h_hbm, src_hbm, dst_hbm, out_hbm,
                  idx_s, idx_d, rows_s, rows_d, out_v, sems_s, sems_d):
    wid = lax.axis_index("s") * NC + lax.axis_index("c")
    wbase = pl.multiple_of(wid * E_PER_W, 8)
    iota = lax.iota(jnp.int32, L)

    pltpu.sync_copy(src_hbm.at[pl.ds(wbase, E_PER_W)], idx_s)
    pltpu.sync_copy(dst_hbm.at[pl.ds(wbase, E_PER_W)], idx_d)

    def fire(c, buf):
        off = pl.multiple_of(c * CH, 8)
        pltpu.async_copy(h_hbm.at[idx_s.at[pl.ds(off, CH)]], rows_s[buf],
                         sems_s[buf])
        pltpu.async_copy(h_hbm.at[idx_d.at[pl.ds(off, CH)]], rows_d[buf],
                         sems_d[buf])

    def drain(buf):
        pltpu.make_async_copy(h_hbm.at[idx_s.at[pl.ds(0, CH)]], rows_s[buf],
                              sems_s[buf]).wait()
        pltpu.make_async_copy(h_hbm.at[idx_d.at[pl.ds(0, CH)]], rows_d[buf],
                              sems_d[buf]).wait()

    def compute(c, buf):
        rs = rows_s[buf]
        rd = rows_d[buf]

        @pl.loop(0, G_PER_CH)
        def _group(g):
            edge = g * L + iota

            init = tuple([iota] + [jnp.zeros((L,), jnp.float32)
                                   for _ in range(8)])

            @pl.loop(0, DW, init_carry=init, unroll=8)
            def _col(dcol, carry):
                colv = carry[0]
                accs = carry[1:]
                aw = plsc.load_gather(rs, [edge, colv])
                bw = plsc.load_gather(rd, [edge, colv])
                p = (plsc.bitcast(aw, jnp.bfloat16)
                     * plsc.bitcast(bw, jnp.bfloat16))
                p0, p1 = plsc.unpack(p, format=plsc.PackFormat.INTERLEAVED)
                return tuple([colv + 1] + list(accs[2:])
                             + [accs[0] + p0, accs[1] + p1])

            accs = _col[1:]
            acc = (((accs[0] + accs[1]) + (accs[2] + accs[3]))
                   + ((accs[4] + accs[5]) + (accs[6] + accs[7])))
            off = pl.multiple_of(c * CH + g * L, 8)
            out_v[pl.ds(off, L)] = acc

    for b in range(NBUF - 1):
        fire(b, b)

    @pl.loop(0, N_CH - 1, step=NBUF)
    def _chunk(c):
        for k in range(NBUF):
            nxt = c + k + NBUF - 1

            @pl.when(nxt < N_CH)
            def _():
                fire(nxt, (k + NBUF - 1) % NBUF)

            drain(k)
            compute(c + k, k)

    drain((N_CH - 1) % NBUF)
    compute(N_CH - 1, (N_CH - 1) % NBUF)

    pltpu.sync_copy(out_v, out_hbm.at[pl.ds(wbase, E_PER_W)])


def kernel(u_f, v_f, edge_index):
    h = jnp.concatenate([u_f, v_f], axis=0)
    hw = jax.lax.bitcast_convert_type(
        h.astype(jnp.bfloat16).reshape(N_NODES, DW, 2), jnp.int32)
    hw = jnp.concatenate([hw, hw[:, :L]], axis=1)
    ei = edge_index.astype(jnp.int32)
    score = _score_kernel(hw, ei[0], ei[1])
    return score.reshape(E, 1)

# --- scband reference (transcript-rebuilt; emitter-appended) ---
"""Pipeline reference for scband-dot-product-predictor-27882927685657 (READ-ONLY COPY).

The authoritative reference and input builder live on the scoring server;
editing this copy changes nothing except your own understanding.
"""

import jax, jax.numpy as jnp
import numpy as np

N_U = 5000
N_V = 5000
D = 128
E = 320000

def setup_inputs(seed: int = 0) -> dict:
    key = jax.random.key(seed)
    k1, k2, k3 = jax.random.split(key, 3)
    u_f = jax.random.normal(k1, (N_U, D), dtype=jnp.float32)
    v_f = jax.random.normal(k2, (N_V, D), dtype=jnp.float32)
    edge_index = jax.random.randint(k3, (2, E), 0, N_U + N_V, dtype=jnp.int64)
    return {"u_f": u_f, "v_f": v_f, "edge_index": edge_index}

def reference(u_f, v_f, edge_index):
    # h = torch.cat([u_f, v_f], dim=0)
    h = jnp.concatenate([u_f, v_f], axis=0)
    src = edge_index[0]
    dst = edge_index[1]
    # apply_edges(fn.u_dot_v('h', 'h', 'score')): per-edge dot product -> [E, 1]
    h_src = jnp.take(h, src, axis=0)
    h_dst = jnp.take(h, dst, axis=0)
    score = jnp.sum(h_src * h_dst, axis=-1, keepdims=True)
    return score

if __name__ == "__main__":
    import jax
    _d = setup_inputs()
    print(jax.jit(kernel)(*tuple(_d.values())))

</pallas_src>

<mosaic_0001>
#map = affine_map<(d0, d1) -> (0, 0)>
#map1 = affine_map<(d0, d1) -> (0)>
module attributes {stable_mosaic.version = 14 : i64} {
  func.func @_score_kernel(%arg0: i32, %arg1: i32, %arg2: memref<10000x80xi32, #tpu.memory_space<hbm>>, %arg3: memref<320000xi32, #tpu.memory_space<hbm>>, %arg4: memref<320000xi32, #tpu.memory_space<hbm>>, %arg5: memref<320000xf32, #tpu.memory_space<hbm>>, %arg6: memref<10000xi32, #tpu.memory_space<vmem>>, %arg7: memref<10000xi32, #tpu.memory_space<vmem>>, %arg8: memref<80x80xi32, #tpu.memory_space<vmem>>, %arg9: memref<80x80xi32, #tpu.memory_space<vmem>>, %arg10: memref<80x80xi32, #tpu.memory_space<vmem>>, %arg11: memref<80x80xi32, #tpu.memory_space<vmem>>, %arg12: memref<80x80xi32, #tpu.memory_space<vmem>>, %arg13: memref<80x80xi32, #tpu.memory_space<vmem>>, %arg14: memref<80x80xi32, #tpu.memory_space<vmem>>, %arg15: memref<80x80xi32, #tpu.memory_space<vmem>>, %arg16: memref<10000xf32, #tpu.memory_space<vmem>>, %arg17: memref<!tpu.dma_semaphore, #tpu.memory_space<semaphore_mem>>, %arg18: memref<!tpu.dma_semaphore, #tpu.memory_space<semaphore_mem>>, %arg19: memref<!tpu.dma_semaphore, #tpu.memory_space<semaphore_mem>>, %arg20: memref<!tpu.dma_semaphore, #tpu.memory_space<semaphore_mem>>, %arg21: memref<!tpu.dma_semaphore, #tpu.memory_space<semaphore_mem>>, %arg22: memref<!tpu.dma_semaphore, #tpu.memory_space<semaphore_mem>>, %arg23: memref<!tpu.dma_semaphore, #tpu.memory_space<semaphore_mem>>, %arg24: memref<!tpu.dma_semaphore, #tpu.memory_space<semaphore_mem>>) attributes {dimension_semantics = [#tpu.dimension_semantics<core_parallel>, #tpu.dimension_semantics<subcore_parallel>], iteration_bounds = array<i64: 2, 16>, scalar_prefetch = 0 : i64, scratch_operands = 19 : i64, tpu.core_type = #tpu.core_type<sc_vector_subcore>, window_params = [{transform_indices = #map}, {transform_indices = #map1}, {transform_indices = #map1}, {transform_indices = #map1}]} {
    %mul3A = arith.constant 2 : i32
    %mul3A_0 = arith.muli %arg1, %mul3A : i32
    %add3A = arith.addi %mul3A_0, %arg0 : i32
    %mul3A_1 = arith.constant 10000 : i32
    %mul3A_2 = arith.muli %add3A, %mul3A_1 : i32
    %multiple_of3A = tpu.assume_multiple %mul3A_2, 8 : i32
    %iota3A = tpu.iota {dimensions = array<i32: 0>} : vector<16xi32>
    "tpu.region"() ({
      %run_scoped3A = tpu.sem_alloc : memref<!tpu.dma_semaphore, #tpu.memory_space<semaphore_mem>>
      %dma_start3A_50 = tpu.memref_slice %arg3[%multiple_of3A] : memref<320000xi32, #tpu.memory_space<hbm>> -> memref<10000xi32, #tpu.memory_space<hbm>>
      %dma_start3A_51 = tpu.memref_slice %arg3[%multiple_of3A] : memref<320000xi32, #tpu.memory_space<hbm>> -> memref<10000xi32, #tpu.memory_space<hbm>>
      tpu.enqueue_dma source(%dma_start3A_51 : memref<10000xi32, #tpu.memory_space<hbm>>) target(%arg6 : memref<10000xi32, #tpu.memory_space<vmem>>) target_semaphore(%run_scoped3A : memref<!tpu.dma_semaphore, #tpu.memory_space<semaphore_mem>>)
      %dma_wait3A_52 = tpu.memref_slice %arg3[%multiple_of3A] : memref<320000xi32, #tpu.memory_space<hbm>> -> memref<10000xi32, #tpu.memory_space<hbm>>
      %dma_wait3A_53 = tpu.memref_slice %arg3[%multiple_of3A] : memref<320000xi32, #tpu.memory_space<hbm>> -> memref<10000xi32, #tpu.memory_space<hbm>>
      tpu.wait_dma2 semaphore(%run_scoped3A : memref<!tpu.dma_semaphore, #tpu.memory_space<semaphore_mem>>) src(%dma_wait3A_53 : memref<10000xi32, #tpu.memory_space<hbm>>) dst(%arg6 : memref<10000xi32, #tpu.memory_space<vmem>>)
      tpu.yield
    }) : () -> ()
    "tpu.region"() ({
      %run_scoped3A = tpu.sem_alloc : memref<!tpu.dma_semaphore, #tpu.memory_space<semaphore_mem>>
      %dma_start3A_50 = tpu.memref_slice %arg4[%multiple_of3A] : memref<320000xi32, #tpu.memory_space<hbm>> -> memref<10000xi32, #tpu.memory_space<hbm>>
      %dma_start3A_51 = tpu.memref_slice %arg4[%multiple_of3A] : memref<320000xi32, #tpu.memory_space<hbm>> -> memref<10000xi32, #tpu.memory_space<hbm>>
      tpu.enqueue_dma source(%dma_start3A_51 : memref<10000xi32, #tpu.memory_space<hbm>>) target(%arg7 : memref<10000xi32, #tpu.memory_space<vmem>>) target_semaphore(%run_scoped3A : memref<!tpu.dma_semaphore, #tpu.memory_space<semaphore_mem>>)
      %dma_wait3A_52 = tpu.memref_slice %arg4[%multiple_of3A] : memref<320000xi32, #tpu.memory_space<hbm>> -> memref<10000xi32, #tpu.memory_space<hbm>>
      %dma_wait3A_53 = tpu.memref_slice %arg4[%multiple_of3A] : memref<320000xi32, #tpu.memory_space<hbm>> -> memref<10000xi32, #tpu.memory_space<hbm>>
      tpu.wait_dma2 semaphore(%run_scoped3A : memref<!tpu.dma_semaphore, #tpu.memory_space<semaphore_mem>>) src(%dma_wait3A_53 : memref<10000xi32, #tpu.memory_space<hbm>>) dst(%arg7 : memref<10000xi32, #tpu.memory_space<vmem>>)
      tpu.yield
    }) : () -> ()
    %multiple_of3A_3 = arith.constant 0 : i32
    %multiple_of3A_4 = tpu.assume_multiple %multiple_of3A_3, 8 : i32
    %dma_start3A = tpu.memref_slice %arg6[%multiple_of3A_4] : memref<10000xi32, #tpu.memory_space<vmem>> -> memref<80xi32, #tpu.memory_space<vmem>>
    %dma_start3A_5 = arith.constant 0 : i32
    %dma_start3A_6 = arith.constant 0 : i32
    %dma_start3A_7 = tpu.memref_slice %arg2[%dma_start3A_5, %dma_start3A_6] : memref<10000x80xi32, #tpu.memory_space<hbm>> -> memref<10000x80xi32, #tpu.memory_space<hbm>>
    tpu.enqueue_indirect_dma source(%dma_start3A_7 : memref<10000x80xi32, #tpu.memory_space<hbm>>) target(%arg8 : memref<80x80xi32, #tpu.memory_space<vmem>>) offsets(%dma_start3A : memref<80xi32, #tpu.memory_space<vmem>>) semaphore(%arg17 : memref<!tpu.dma_semaphore, #tpu.memory_space<semaphore_mem>>)
    %dma_start3A_8 = tpu.memref_slice %arg7[%multiple_of3A_4] : memref<10000xi32, #tpu.memory_space<vmem>> -> memref<80xi32, #tpu.memory_space<vmem>>
    %dma_start3A_9 = arith.constant 0 : i32
    %dma_start3A_10 = arith.constant 0 : i32
    %dma_start3A_11 = tpu.memref_slice %arg2[%dma_start3A_9, %dma_start3A_10] : memref<10000x80xi32, #tpu.memory_space<hbm>> -> memref<10000x80xi32, #tpu.memory_space<hbm>>
    tpu.enqueue_indirect_dma source(%dma_start3A_11 : memref<10000x80xi32, #tpu.memory_space<hbm>>) target(%arg12 : memref<80x80xi32, #tpu.memory_space<vmem>>) offsets(%dma_start3A_8 : memref<80xi32, #tpu.memory_space<vmem>>) semaphore(%arg21 : memref<!tpu.dma_semaphore, #tpu.memory_space<semaphore_mem>>)
    %multiple_of3A_12 = arith.constant 80 : i32
    %multiple_of3A_13 = tpu.assume_multiple %multiple_of3A_12, 8 : i32
    %dma_start3A_14 = tpu.memref_slice %arg6[%multiple_of3A_13] : memref<10000xi32, #tpu.memory_space<vmem>> -> memref<80xi32, #tpu.memory_space<vmem>>
    %dma_start3A_15 = arith.constant 0 : i32
    %dma_start3A_16 = arith.constant 0 : i32
    %dma_start3A_17 = tpu.memref_slice %arg2[%dma_start3A_15, %dma_start3A_16] : memref<10000x80xi32, #tpu.memory_space<hbm>> -> memref<10000x80xi32, #tpu.memory_space<hbm>>
    tpu.enqueue_indirect_dma source(%dma_start3A_17 : memref<10000x80xi32, #tpu.memory_space<hbm>>) target(%arg9 : memref<80x80xi32, #tpu.memory_space<vmem>>) offsets(%dma_start3A_14 : memref<80xi32, #tpu.memory_space<vmem>>) semaphore(%arg18 : memref<!tpu.dma_semaphore, #tpu.memory_space<semaphore_mem>>)
    %dma_start3A_18 = tpu.memref_slice %arg7[%multiple_of3A_13] : memref<10000xi32, #tpu.memory_space<vmem>> -> memref<80xi32, #tpu.memory_space<vmem>>
    %dma_start3A_19 = arith.constant 0 : i32
    %dma_start3A_20 = arith.constant 0 : i32
    %dma_start3A_21 = tpu.memref_slice %arg2[%dma_start3A_19, %dma_start3A_20] : memref<10000x80xi32, #tpu.memory_space<hbm>> -> memref<10000x80xi32, #tpu.memory_space<hbm>>
    tpu.enqueue_indirect_dma source(%dma_start3A_21 : memref<10000x80xi32, #tpu.memory_space<hbm>>) target(%arg13 : memref<80x80xi32, #tpu.memory_space<vmem>>) offsets(%dma_start3A_18 : memref<80xi32, #tpu.memory_space<vmem>>) semaphore(%arg22 : memref<!tpu.dma_semaphore, #tpu.memory_space<semaphore_mem>>)
    %multiple_of3A_22 = arith.constant 160 : i32
    %multiple_of3A_23 = tpu.assume_multiple %multiple_of3A_22, 8 : i32
    %dma_start3A_24 = tpu.memref_slice %arg6[%multiple_of3A_23] : memref<10000xi32, #tpu.memory_space<vmem>> -> memref<80xi32, #tpu.memory_space<vmem>>
    %dma_start3A_25 = arith.constant 0 : i32
    %dma_start3A_26 = arith.constant 0 : i32
    %dma_start3A_27 = tpu.memref_slice %arg2[%dma_start3A_25, %dma_start3A_26] : memref<10000x80xi32, #tpu.memory_space<hbm>> -> memref<10000x80xi32, #tpu.memory_space<hbm>>
    tpu.enqueue_indirect_dma source(%dma_start3A_27 : memref<10000x80xi32, #tpu.memory_space<hbm>>) target(%arg10 : memref<80x80xi32, #tpu.memory_space<vmem>>) offsets(%dma_start3A_24 : memref<80xi32, #tpu.memory_space<vmem>>) semaphore(%arg19 : memref<!tpu.dma_semaphore, #tpu.memory_space<semaphore_mem>>)
    %dma_start3A_28 = tpu.memref_slice %arg7[%multiple_of3A_23] : memref<10000xi32, #tpu.memory_space<vmem>> -> memref<80xi32, #tpu.memory_space<vmem>>
    %dma_start3A_29 = arith.constant 0 : i32
    %dma_start3A_30 = arith.constant 0 : i32
    %dma_start3A_31 = tpu.memref_slice %arg2[%dma_start3A_29, %dma_start3A_30] : memref<10000x80xi32, #tpu.memory_space<hbm>> -> memref<10000x80xi32, #tpu.memory_space<hbm>>
    tpu.enqueue_indirect_dma source(%dma_start3A_31 : memref<10000x80xi32, #tpu.memory_space<hbm>>) target(%arg14 : memref<80x80xi32, #tpu.memory_space<vmem>>) offsets(%dma_start3A_28 : memref<80xi32, #tpu.memory_space<vmem>>) semaphore(%arg23 : memref<!tpu.dma_semaphore, #tpu.memory_space<semaphore_mem>>)
    %scan3A = arith.constant 0 : i32
    %scan3A_32 = arith.constant 31 : i32
    %scan3A_33 = arith.addi %scan3A, %scan3A_32 : i32
    %scan3A_34 = arith.constant 1 : i32
    scf.for %scan3A_50 = %scan3A to %scan3A_33 step %scan3A_34  : i32 {
      %mul3A_51 = arith.constant 4 : i32
      %mul3A_52 = arith.muli %scan3A_50, %mul3A_51 : i32
      %add3A_53 = arith.constant 0 : i32
      %add3A_54 = arith.addi %add3A_53, %mul3A_52 : i32
      %add3A_55 = arith.constant 0 : i32
      %add3A_56 = arith.addi %add3A_54, %add3A_55 : i32
      %add3A_57 = arith.constant 4 : i32
      %add3A_58 = arith.addi %add3A_56, %add3A_57 : i32
      %sub3A = arith.constant 1 : i32
      %sub3A_59 = arith.subi %add3A_58, %sub3A : i32
      %lt3A = arith.constant 125 : i32
      %lt3A_60 = arith.cmpi slt, %sub3A_59, %lt3A : i32
      %convert_element_type3A = arith.extui %lt3A_60 : i1 to i32
      %cond3A = arith.constant 0 : i32
      %cond3A_61 = arith.cmpi ne, %convert_element_type3A, %cond3A : i32
      scf.if %cond3A_61 {
        %mul3A_163 = arith.constant 80 : i32
        %mul3A_164 = arith.muli %sub3A_59, %mul3A_163 : i32
        %multiple_of3A_165 = tpu.assume_multiple %mul3A_164, 8 : i32
        %dma_start3A_166 = tpu.memref_slice %arg6[%multiple_of3A_165] : memref<10000xi32, #tpu.memory_space<vmem>> -> memref<80xi32, #tpu.memory_space<vmem>>
        %dma_start3A_167 = arith.constant 0 : i32
        %dma_start3A_168 = arith.constant 0 : i32
        %dma_start3A_169 = tpu.memref_slice %arg2[%dma_start3A_167, %dma_start3A_168] : memref<10000x80xi32, #tpu.memory_space<hbm>> -> memref<10000x80xi32, #tpu.memory_space<hbm>>
        tpu.enqueue_indirect_dma source(%dma_start3A_169 : memref<10000x80xi32, #tpu.memory_space<hbm>>) target(%arg11 : memref<80x80xi32, #tpu.memory_space<vmem>>) offsets(%dma_start3A_166 : memref<80xi32, #tpu.memory_space<vmem>>) semaphore(%arg20 : memref<!tpu.dma_semaphore, #tpu.memory_space<semaphore_mem>>)
        %dma_start3A_170 = tpu.memref_slice %arg7[%multiple_of3A_165] : memref<10000xi32, #tpu.memory_space<vmem>> -> memref<80xi32, #tpu.memory_space<vmem>>
        %dma_start3A_171 = arith.constant 0 : i32
        %dma_start3A_172 = arith.constant 0 : i32
        %dma_start3A_173 = tpu.memref_slice %arg2[%dma_start3A_171, %dma_start3A_172] : memref<10000x80xi32, #tpu.memory_space<hbm>> -> memref<10000x80xi32, #tpu.memory_space<hbm>>
        tpu.enqueue_indirect_dma source(%dma_start3A_173 : memref<10000x80xi32, #tpu.memory_space<hbm>>) target(%arg15 : memref<80x80xi32, #tpu.memory_space<vmem>>) offsets(%dma_start3A_170 : memref<80xi32, #tpu.memory_space<vmem>>) semaphore(%arg24 : memref<!tpu.dma_semaphore, #tpu.memory_space<semaphore_mem>>)
      } else {
      }
      %dma_wait3A_62 = arith.constant 0 : i32
      %dma_wait3A_63 = tpu.memref_slice %arg6[%dma_wait3A_62] : memref<10000xi32, #tpu.memory_space<vmem>> -> memref<80xi32, #tpu.memory_space<vmem>>
      %dma_wait3A_64 = arith.constant 0 : i32
      %dma_wait3A_65 = arith.constant 0 : i32
      %dma_wait3A_66 = tpu.memref_slice %arg2[%dma_wait3A_64, %dma_wait3A_65] : memref<10000x80xi32, #tpu.memory_space<hbm>> -> memref<10000x80xi32, #tpu.memory_space<hbm>>
      tpu.wait_indirect_dma semaphore(%arg17 : memref<!tpu.dma_semaphore, #tpu.memory_space<semaphore_mem>>) src(%dma_wait3A_66 : memref<10000x80xi32, #tpu.memory_space<hbm>>) dst(%arg8 : memref<80x80xi32, #tpu.memory_space<vmem>>)
      %dma_wait3A_67 = arith.constant 0 : i32
      %dma_wait3A_68 = tpu.memref_slice %arg7[%dma_wait3A_67] : memref<10000xi32, #tpu.memory_space<vmem>> -> memref<80xi32, #tpu.memory_space<vmem>>
      %dma_wait3A_69 = arith.constant 0 : i32
      %dma_wait3A_70 = arith.constant 0 : i32
      %dma_wait3A_71 = tpu.memref_slice %arg2[%dma_wait3A_69, %dma_wait3A_70] : memref<10000x80xi32, #tpu.memory_space<hbm>> -> memref<10000x80xi32, #tpu.memory_space<hbm>>
      tpu.wait_indirect_dma semaphore(%arg21 : memref<!tpu.dma_semaphore, #tpu.memory_space<semaphore_mem>>) src(%dma_wait3A_71 : memref<10000x80xi32, #tpu.memory_space<hbm>>) dst(%arg12 : memref<80x80xi32, #tpu.memory_space<vmem>>)
      %add3A_72 = arith.constant 0 : i32
      %add3A_73 = arith.addi %add3A_54, %add3A_72 : i32
      %scan3A_74 = arith.constant 0 : i32
      %scan3A_75 = arith.constant 5 : i32
      %scan3A_76 = arith.addi %scan3A_74, %scan3A_75 : i32
      %scan3A_77 = arith.constant 1 : i32
      scf.for %scan3A_163 = %scan3A_74 to %scan3A_76 step %scan3A_77  : i32 {
        %mul3A_164 = arith.constant 1 : i32
        %mul3A_165 = arith.muli %scan3A_163, %mul3A_164 : i32
        %add3A_166 = arith.constant 0 : i32
        %add3A_167 = arith.addi %add3A_166, %mul3A_165 : i32
        %mul3A_168 = arith.constant 16 : i32
        %mul3A_169 = arith.muli %add3A_167, %mul3A_168 : i32
        %add3A_170 = vector.broadcast %mul3A_169 : i32 to vector<16xi32>
        %add3A_171 = arith.addi %add3A_170, %iota3A : vector<16xi32>
        %broadcast_in_dim3A = arith.constant 0.000000e+00 : f32
        %broadcast_in_dim3A_172 = vector.broadcast %broadcast_in_dim3A : f32 to vector<16xf32>
        %broadcast_in_dim3A_173 = arith.constant 0.000000e+00 : f32
        %broadcast_in_dim3A_174 = vector.broadcast %broadcast_in_dim3A_173 : f32 to vector<16xf32>
        %broadcast_in_dim3A_175 = arith.constant 0.000000e+00 : f32
        %broadcast_in_dim3A_176 = vector.broadcast %broadcast_in_dim3A_175 : f32 to vector<16xf32>
        %broadcast_in_dim3A_177 = arith.constant 0.000000e+00 : f32
        %broadcast_in_dim3A_178 = vector.broadcast %broadcast_in_dim3A_177 : f32 to vector<16xf32>
        %broadcast_in_dim3A_179 = arith.constant 0.000000e+00 : f32
        %broadcast_in_dim3A_180 = vector.broadcast %broadcast_in_dim3A_179 : f32 to vector<16xf32>
        %broadcast_in_dim3A_181 = arith.constant 0.000000e+00 : f32
        %broadcast_in_dim3A_182 = vector.broadcast %broadcast_in_dim3A_181 : f32 to vector<16xf32>
        %broadcast_in_dim3A_183 = arith.constant 0.000000e+00 : f32
        %broadcast_in_dim3A_184 = vector.broadcast %broadcast_in_dim3A_183 : f32 to vector<16xf32>
        %broadcast_in_dim3A_185 = arith.constant 0.000000e+00 : f32
        %broadcast_in_dim3A_186 = vector.broadcast %broadcast_in_dim3A_185 : f32 to vector<16xf32>
        %scan3A_187 = arith.constant 0 : i32
        %scan3A_188 = arith.constant 64 : i32
        %scan3A_189 = arith.addi %scan3A_187, %scan3A_188 : i32
        %scan3A_190 = arith.constant 8 : i32
        %scan3A_191:9 = scf.for %scan3A_207 = %scan3A_187 to %scan3A_189 step %scan3A_190 iter_args(%scan3A_208 = %iota3A, %scan3A_209 = %broadcast_in_dim3A_172, %scan3A_210 = %broadcast_in_dim3A_174, %scan3A_211 = %broadcast_in_dim3A_176, %scan3A_212 = %broadcast_in_dim3A_178, %scan3A_213 = %broadcast_in_dim3A_180, %scan3A_214 = %broadcast_in_dim3A_182, %scan3A_215 = %broadcast_in_dim3A_184, %scan3A_216 = %broadcast_in_dim3A_186) -> (vector<16xi32>, vector<16xf32>, vector<16xf32>, vector<16xf32>, vector<16xf32>, vector<16xf32>, vector<16xf32>, vector<16xf32>, vector<16xf32>)  : i32 {
          %mul3A_217 = arith.constant 1 : i32
          %mul3A_218 = arith.muli %scan3A_207, %mul3A_217 : i32
          %add3A_219 = arith.constant 0 : i32
          %add3A_220 = arith.addi %add3A_219, %mul3A_218 : i32
          %gather3A = tpu.vector_load_idx %arg8[%add3A_171, %scan3A_208] : memref<80x80xi32, #tpu.memory_space<vmem>>[vector<16xi32>, vector<16xi32>], vector<16xi32>,
          %gather3A_221 = tpu.vector_load_idx %arg12[%add3A_171, %scan3A_208] : memref<80x80xi32, #tpu.memory_space<vmem>>[vector<16xi32>, vector<16xi32>], vector<16xi32>,
          %bitcast3A = vector.bitcast %gather3A : vector<16xi32> to vector<32xbf16>
          %bitcast3A_222 = vector.bitcast %gather3A_221 : vector<16xi32> to vector<32xbf16>
          %mul3A_223 = arith.mulf %bitcast3A, %bitcast3A_222 : vector<32xbf16>
          %unpack3A = tpu.unpack_subelements %mul3A_223, 0 {pack_format = #tpu.pack_format<interleaved>} : vector<32xbf16> -> vector<16xf32>
          %unpack3A_224 = tpu.unpack_subelements %mul3A_223, 1 {pack_format = #tpu.pack_format<interleaved>} : vector<32xbf16> -> vector<16xf32>
          %add3A_225 = arith.constant 1 : i32
          %add3A_226 = vector.broadcast %add3A_225 : i32 to vector<16xi32>
          %add3A_227 = arith.addi %scan3A_208, %add3A_226 : vector<16xi32>
          %add3A_228 = arith.addf %scan3A_209, %unpack3A : vector<16xf32>
          %add3A_229 = arith.addf %scan3A_210, %unpack3A_224 : vector<16xf32>
          %scan3A_230 = arith.constant 1 : i32
          %scan3A_231 = arith.addi %scan3A_207, %scan3A_230 : i32
          %mul3A_232 = arith.constant 1 : i32
          %mul3A_233 = arith.muli %scan3A_231, %mul3A_232 : i32
          %add3A_234 = arith.constant 0 : i32
          %add3A_235 = arith.addi %add3A_234, %mul3A_233 : i32
          %gather3A_236 = tpu.vector_load_idx %arg8[%add3A_171, %add3A_227] : memref<80x80xi32, #tpu.memory_space<vmem>>[vector<16xi32>, vector<16xi32>], vector<16xi32>,
          %gather3A_237 = tpu.vector_load_idx %arg12[%add3A_171, %add3A_227] : memref<80x80xi32, #tpu.memory_space<vmem>>[vector<16xi32>, vector<16xi32>], vector<16xi32>,
          %bitcast3A_238 = vector.bitcast %gather3A_236 : vector<16xi32> to vector<32xbf16>
          %bitcast3A_239 = vector.bitcast %gather3A_237 : vector<16xi32> to vector<32xbf16>
          %mul3A_240 = arith.mulf %bitcast3A_238, %bitcast3A_239 : vector<32xbf16>
          %unpack3A_241 = tpu.unpack_subelements %mul3A_240, 0 {pack_format = #tpu.pack_format<interleaved>} : vector<32xbf16> -> vector<16xf32>
          %unpack3A_242 = tpu.unpack_subelements %mul3A_240, 1 {pack_format = #tpu.pack_format<interleaved>} : vector<32xbf16> -> vector<16xf32>
          %add3A_243 = arith.constant 1 : i32
          %add3A_244 = vector.broadcast %add3A_243 : i32 to vector<16xi32>
          %add3A_245 = arith.addi %add3A_227, %add3A_244 : vector<16xi32>
          %add3A_246 = arith.addf %scan3A_211, %unpack3A_241 : vector<16xf32>
          %add3A_247 = arith.addf %scan3A_212, %unpack3A_242 : vector<16xf32>
          %scan3A_248 = arith.constant 2 : i32
          %scan3A_249 = arith.addi %scan3A_207, %scan3A_248 : i32
          %mul3A_250 = arith.constant 1 : i32
          %mul3A_251 = arith.muli %scan3A_249, %mul3A_250 : i32
          %add3A_252 = arith.constant 0 : i32
          %add3A_253 = arith.addi %add3A_252, %mul3A_251 : i32
          %gather3A_254 = tpu.vector_load_idx %arg8[%add3A_171, %add3A_245] : memref<80x80xi32, #tpu.memory_space<vmem>>[vector<16xi32>, vector<16xi32>], vector<16xi32>,
          %gather3A_255 = tpu.vector_load_idx %arg12[%add3A_171, %add3A_245] : memref<80x80xi32, #tpu.memory_space<vmem>>[vector<16xi32>, vector<16xi32>], vector<16xi32>,
          %bitcast3A_256 = vector.bitcast %gather3A_254 : vector<16xi32> to vector<32xbf16>
          %bitcast3A_257 = vector.bitcast %gather3A_255 : vector<16xi32> to vector<32xbf16>
          %mul3A_258 = arith.mulf %bitcast3A_256, %bitcast3A_257 : vector<32xbf16>
          %unpack3A_259 = tpu.unpack_subelements %mul3A_258, 0 {pack_format = #tpu.pack_format<interleaved>} : vector<32xbf16> -> vector<16xf32>
          %unpack3A_260 = tpu.unpack_subelements %mul3A_258, 1 {pack_format = #tpu.pack_format<interleaved>} : vector<32xbf16> -> vector<16xf32>
          %add3A_261 = arith.constant 1 : i32
          %add3A_262 = vector.broadcast %add3A_261 : i32 to vector<16xi32>
          %add3A_263 = arith.addi %add3A_245, %add3A_262 : vector<16xi32>
          %add3A_264 = arith.addf %scan3A_213, %unpack3A_259 : vector<16xf32>
          %add3A_265 = arith.addf %scan3A_214, %unpack3A_260 : vector<16xf32>
          %scan3A_266 = arith.constant 3 : i32
          %scan3A_267 = arith.addi %scan3A_207, %scan3A_266 : i32
          %mul3A_268 = arith.constant 1 : i32
          %mul3A_269 = arith.muli %scan3A_267, %mul3A_268 : i32
          %add3A_270 = arith.constant 0 : i32
          %add3A_271 = arith.addi %add3A_270, %mul3A_269 : i32
          %gather3A_272 = tpu.vector_load_idx %arg8[%add3A_171, %add3A_263] : memref<80x80xi32, #tpu.memory_space<vmem>>[vector<16xi32>, vector<16xi32>], vector<16xi32>,
          %gather3A_273 = tpu.vector_load_idx %arg12[%add3A_171, %add3A_263] : memref<80x80xi32, #tpu.memory_space<vmem>>[vector<16xi32>, vector<16xi32>], vector<16xi32>,
          %bitcast3A_274 = vector.bitcast %gather3A_272 : vector<16xi32> to vector<32xbf16>
          %bitcast3A_275 = vector.bitcast %gather3A_273 : vector<16xi32> to vector<32xbf16>
          %mul3A_276 = arith.mulf %bitcast3A_274, %bitcast3A_275 : vector<32xbf16>
          %unpack3A_277 = tpu.unpack_subelements %mul3A_276, 0 {pack_format = #tpu.pack_format<interleaved>} : vector<32xbf16> -> vector<16xf32>
          %unpack3A_278 = tpu.unpack_subelements %mul3A_276, 1 {pack_format = #tpu.pack_format<interleaved>} : vector<32xbf16> -> vector<16xf32>
          %add3A_279 = arith.constant 1 : i32
          %add3A_280 = vector.broadcast %add3A_279 : i32 to vector<16xi32>
          %add3A_281 = arith.addi %add3A_263, %add3A_280 : vector<16xi32>
          %add3A_282 = arith.addf %scan3A_215, %unpack3A_277 : vector<16xf32>
          %add3A_283 = arith.addf %scan3A_216, %unpack3A_278 : vector<16xf32>
          %scan3A_284 = arith.constant 4 : i32
          %scan3A_285 = arith.addi %scan3A_207, %scan3A_284 : i32
          %mul3A_286 = arith.constant 1 : i32
          %mul3A_287 = arith.muli %scan3A_285, %mul3A_286 : i32
          %add3A_288 = arith.constant 0 : i32
          %add3A_289 = arith.addi %add3A_288, %mul3A_287 : i32
          %gather3A_290 = tpu.vector_load_idx %arg8[%add3A_171, %add3A_281] : memref<80x80xi32, #tpu.memory_space<vmem>>[vector<16xi32>, vector<16xi32>], vector<16xi32>,
          %gather3A_291 = tpu.vector_load_idx %arg12[%add3A_171, %add3A_281] : memref<80x80xi32, #tpu.memory_space<vmem>>[vector<16xi32>, vector<16xi32>], vector<16xi32>,
          %bitcast3A_292 = vector.bitcast %gather3A_290 : vector<16xi32> to vector<32xbf16>
          %bitcast3A_293 = vector.bitcast %gather3A_291 : vector<16xi32> to vector<32xbf16>
          %mul3A_294 = arith.mulf %bitcast3A_292, %bitcast3A_293 : vector<32xbf16>
          %unpack3A_295 = tpu.unpack_subelements %mul3A_294, 0 {pack_format = #tpu.pack_format<interleaved>} : vector<32xbf16> -> vector<16xf32>
          %unpack3A_296 = tpu.unpack_subelements %mul3A_294, 1 {pack_format = #tpu.pack_format<interleaved>} : vector<32xbf16> -> vector<16xf32>
          %add3A_297 = arith.constant 1 : i32
          %add3A_298 = vector.broadcast %add3A_297 : i32 to vector<16xi32>
          %add3A_299 = arith.addi %add3A_281, %add3A_298 : vector<16xi32>
          %add3A_300 = arith.addf %add3A_228, %unpack3A_295 : vector<16xf32>
          %add3A_301 = arith.addf %add3A_229, %unpack3A_296 : vector<16xf32>
          %scan3A_302 = arith.constant 5 : i32
          %scan3A_303 = arith.addi %scan3A_207, %scan3A_302 : i32
          %mul3A_304 = arith.constant 1 : i32
          %mul3A_305 = arith.muli %scan3A_303, %mul3A_304 : i32
          %add3A_306 = arith.constant 0 : i32
          %add3A_307 = arith.addi %add3A_306, %mul3A_305 : i32
          %gather3A_308 = tpu.vector_load_idx %arg8[%add3A_171, %add3A_299] : memref<80x80xi32, #tpu.memory_space<vmem>>[vector<16xi32>, vector<16xi32>], vector<16xi32>,
          %gather3A_309 = tpu.vector_load_idx %arg12[%add3A_171, %add3A_299] : memref<80x80xi32, #tpu.memory_space<vmem>>[vector<16xi32>, vector<16xi32>], vector<16xi32>,
          %bitcast3A_310 = vector.bitcast %gather3A_308 : vector<16xi32> to vector<32xbf16>
          %bitcast3A_311 = vector.bitcast %gather3A_309 : vector<16xi32> to vector<32xbf16>
          %mul3A_312 = arith.mulf %bitcast3A_310, %bitcast3A_311 : vector<32xbf16>
          %unpack3A_313 = tpu.unpack_subelements %mul3A_312, 0 {pack_format = #tpu.pack_format<interleaved>} : vector<32xbf16> -> vector<16xf32>
          %unpack3A_314 = tpu.unpack_subelements %mul3A_312, 1 {pack_format = #tpu.pack_format<interleaved>} : vector<32xbf16> -> vector<16xf32>
          %add3A_315 = arith.constant 1 : i32
          %add3A_316 = vector.broadcast %add3A_315 : i32 to vector<16xi32>
          %add3A_317 = arith.addi %add3A_299, %add3A_316 : vector<16xi32>
          %add3A_318 = arith.addf %add3A_246, %unpack3A_313 : vector<16xf32>
          %add3A_319 = arith.addf %add3A_247, %unpack3A_314 : vector<16xf32>
          %scan3A_320 = arith.constant 6 : i32
          %scan3A_321 = arith.addi %scan3A_207, %scan3A_320 : i32
          %mul3A_322 = arith.constant 1 : i32
          %mul3A_323 = arith.muli %scan3A_321, %mul3A_322 : i32
          %add3A_324 = arith.constant 0 : i32
          %add3A_325 = arith.addi %add3A_324, %mul3A_323 : i32
          %gather3A_326 = tpu.vector_load_idx %arg8[%add3A_171, %add3A_317] : memref<80x80xi32, #tpu.memory_space<vmem>>[vector<16xi32>, vector<16xi32>], vector<16xi32>,
          %gather3A_327 = tpu.vector_load_idx %arg12[%add3A_171, %add3A_317] : memref<80x80xi32, #tpu.memory_space<vmem>>[vector<16xi32>, vector<16xi32>], vector<16xi32>,
          %bitcast3A_328 = vector.bitcast %gather3A_326 : vector<16xi32> to vector<32xbf16>
          %bitcast3A_329 = vector.bitcast %gather3A_327 : vector<16xi32> to vector<32xbf16>
          %mul3A_330 = arith.mulf %bitcast3A_328, %bitcast3A_329 : vector<32xbf16>
          %unpack3A_331 = tpu.unpack_subelements %mul3A_330, 0 {pack_format = #tpu.pack_format<interleaved>} : vector<32xbf16> -> vector<16xf32>
          %unpack3A_332 = tpu.unpack_subelements %mul3A_330, 1 {pack_format = #tpu.pack_format<interleaved>} : vector<32xbf16> -> vector<16xf32>
          %add3A_333 = arith.constant 1 : i32
          %add3A_334 = vector.broadcast %add3A_333 : i32 to vector<16xi32>
          %add3A_335 = arith.addi %add3A_317, %add3A_334 : vector<16xi32>
          %add3A_336 = arith.addf %add3A_264, %unpack3A_331 : vector<16xf32>
          %add3A_337 = arith.addf %add3A_265, %unpack3A_332 : vector<16xf32>
          %scan3A_338 = arith.constant 7 : i32
          %scan3A_339 = arith.addi %scan3A_207, %scan3A_338 : i32
          %mul3A_340 = arith.constant 1 : i32
          %mul3A_341 = arith.muli %scan3A_339, %mul3A_340 : i32
          %add3A_342 = arith.constant 0 : i32
          %add3A_343 = arith.addi %add3A_342, %mul3A_341 : i32
          %gather3A_344 = tpu.vector_load_idx %arg8[%add3A_171, %add3A_335] : memref<80x80xi32, #tpu.memory_space<vmem>>[vector<16xi32>, vector<16xi32>], vector<16xi32>,
          %gather3A_345 = tpu.vector_load_idx %arg12[%add3A_171, %add3A_335] : memref<80x80xi32, #tpu.memory_space<vmem>>[vector<16xi32>, vector<16xi32>], vector<16xi32>,
          %bitcast3A_346 = vector.bitcast %gather3A_344 : vector<16xi32> to vector<32xbf16>
          %bitcast3A_347 = vector.bitcast %gather3A_345 : vector<16xi32> to vector<32xbf16>
          %mul3A_348 = arith.mulf %bitcast3A_346, %bitcast3A_347 : vector<32xbf16>
          %unpack3A_349 = tpu.unpack_subelements %mul3A_348, 0 {pack_format = #tpu.pack_format<interleaved>} : vector<32xbf16> -> vector<16xf32>
          %unpack3A_350 = tpu.unpack_subelements %mul3A_348, 1 {pack_format = #tpu.pack_format<interleaved>} : vector<32xbf16> -> vector<16xf32>
          %add3A_351 = arith.constant 1 : i32
          %add3A_352 = vector.broadcast %add3A_351 : i32 to vector<16xi32>
          %add3A_353 = arith.addi %add3A_335, %add3A_352 : vector<16xi32>
          %add3A_354 = arith.addf %add3A_282, %unpack3A_349 : vector<16xf32>
          %add3A_355 = arith.addf %add3A_283, %unpack3A_350 : vector<16xf32>
          scf.yield %add3A_353, %add3A_300, %add3A_301, %add3A_318, %add3A_319, %add3A_336, %add3A_337, %add3A_354, %add3A_355 : vector<16xi32>, vector<16xf32>, vector<16xf32>, vector<16xf32>, vector<16xf32>, vector<16xf32>, vector<16xf32>, vector<16xf32>, vector<16xf32>
        }
        %scan3A_192 = arith.constant 64 : i32
        %add3A_193 = arith.addf %scan3A_191#1, %scan3A_191#2 : vector<16xf32>
        %add3A_194 = arith.addf %scan3A_191#3, %scan3A_191#4 : vector<16xf32>
        %add3A_195 = arith.addf %add3A_193, %add3A_194 : vector<16xf32>
        %add3A_196 = arith.addf %scan3A_191#5, %scan3A_191#6 : vector<16xf32>
        %add3A_197 = arith.addf %scan3A_191#7, %scan3A_191#8 : vector<16xf32>
        %add3A_198 = arith.addf %add3A_196, %add3A_197 : vector<16xf32>
        %add3A_199 = arith.addf %add3A_195, %add3A_198 : vector<16xf32>
        %mul3A_200 = arith.constant 80 : i32
        %mul3A_201 = arith.muli %add3A_73, %mul3A_200 : i32
        %mul3A_202 = arith.constant 16 : i32
        %mul3A_203 = arith.muli %add3A_167, %mul3A_202 : i32
        %add3A_204 = arith.addi %mul3A_201, %mul3A_203 : i32
        %multiple_of3A_205 = tpu.assume_multiple %add3A_204, 8 : i32
        %swap3A = arith.index_cast %multiple_of3A_205 : i32 to index
        %swap3A_206 = tpu.vector_load %arg16[%swap3A] {strides = array<i32>} : memref<10000xf32, #tpu.memory_space<vmem>>, vector<16xf32>,
        tpu.vector_store %arg16[%swap3A], %add3A_199 {strides = array<i32>} : memref<10000xf32, #tpu.memory_space<vmem>>, vector<16xf32>,
      }
      %scan3A_78 = arith.constant 5 : i32
      %add3A_79 = arith.constant 1 : i32
      %add3A_80 = arith.addi %add3A_54, %add3A_79 : i32
      %add3A_81 = arith.constant 4 : i32
      %add3A_82 = arith.addi %add3A_80, %add3A_81 : i32
      %sub3A_83 = arith.constant 1 : i32
      %sub3A_84 = arith.subi %add3A_82, %sub3A_83 : i32
      %lt3A_85 = arith.constant 125 : i32
      %lt3A_86 = arith.cmpi slt, %sub3A_84, %lt3A_85 : i32
      %convert_element_type3A_87 = arith.extui %lt3A_86 : i1 to i32
      %cond3A_88 = arith.constant 0 : i32
      %cond3A_89 = arith.cmpi ne, %convert_element_type3A_87, %cond3A_88 : i32
      scf.if %cond3A_89 {
        %mul3A_163 = arith.constant 80 : i32
        %mul3A_164 = arith.muli %sub3A_84, %mul3A_163 : i32
        %multiple_of3A_165 = tpu.assume_multiple %mul3A_164, 8 : i32
        %dma_start3A_166 = tpu.memref_slice %arg6[%multiple_of3A_165] : memref<10000xi32, #tpu.memory_space<vmem>> -> memref<80xi32, #tpu.memory_space<vmem>>
        %dma_start3A_167 = arith.constant 0 : i32
        %dma_start3A_168 = arith.constant 0 : i32
        %dma_start3A_169 = tpu.memref_slice %arg2[%dma_start3A_167, %dma_start3A_168] : memref<10000x80xi32, #tpu.memory_space<hbm>> -> memref<10000x80xi32, #tpu.memory_space<hbm>>
        tpu.enqueue_indirect_dma source(%dma_start3A_169 : memref<10000x80xi32, #tpu.memory_space<hbm>>) target(%arg8 : memref<80x80xi32, #tpu.memory_space<vmem>>) offsets(%dma_start3A_166 : memref<80xi32, #tpu.memory_space<vmem>>) semaphore(%arg17 : memref<!tpu.dma_semaphore, #tpu.memory_space<semaphore_mem>>)
        %dma_start3A_170 = tpu.memref_slice %arg7[%multiple_of3A_165] : memref<10000xi32, #tpu.memory_space<vmem>> -> memref<80xi32, #tpu.memory_space<vmem>>
        %dma_start3A_171 = arith.constant 0 : i32
        %dma_start3A_172 = arith.constant 0 : i32
        %dma_start3A_173 = tpu.memref_slice %arg2[%dma_start3A_171, %dma_start3A_172] : memref<10000x80xi32, #tpu.memory_space<hbm>> -> memref<10000x80xi32, #tpu.memory_space<hbm>>
        tpu.enqueue_indirect_dma source(%dma_start3A_173 : memref<10000x80xi32, #tpu.memory_space<hbm>>) target(%arg12 : memref<80x80xi32, #tpu.memory_space<vmem>>) offsets(%dma_start3A_170 : memref<80xi32, #tpu.memory_space<vmem>>) semaphore(%arg21 : memref<!tpu.dma_semaphore, #tpu.memory_space<semaphore_mem>>)
      } else {
      }
      %dma_wait3A_90 = arith.constant 0 : i32
      %dma_wait3A_91 = tpu.memref_slice %arg6[%dma_wait3A_90] : memref<10000xi32, #tpu.memory_space<vmem>> -> memref<80xi32, #tpu.memory_space<vmem>>
      %dma_wait3A_92 = arith.constant 0 : i32
      %dma_wait3A_93 = arith.constant 0 : i32
      %dma_wait3A_94 = tpu.memref_slice %arg2[%dma_wait3A_92, %dma_wait3A_93] : memref<10000x80xi32, #tpu.memory_space<hbm>> -> memref<10000x80xi32, #tpu.memory_space<hbm>>
      tpu.wait_indirect_dma semaphore(%arg18 : memref<!tpu.dma_semaphore, #tpu.memory_space<semaphore_mem>>) src(%dma_wait3A_94 : memref<10000x80xi32, #tpu.memory_space<hbm>>) dst(%arg9 : memref<80x80xi32, #tpu.memory_space<vmem>>)
      %dma_wait3A_95 = arith.constant 0 : i32
      %dma_wait3A_96 = tpu.memref_slice %arg7[%dma_wait3A_95] : memref<10000xi32, #tpu.memory_space<vmem>> -> memref<80xi32, #tpu.memory_space<vmem>>
      %dma_wait3A_97 = arith.constant 0 : i32
      %dma_wait3A_98 = arith.constant 0 : i32
      %dma_wait3A_99 = tpu.memref_slice %arg2[%dma_wait3A_97, %dma_wait3A_98] : memref<10000x80xi32, #tpu.memory_space<hbm>> -> memref<10000x80xi32, #tpu.memory_space<hbm>>
      tpu.wait_indirect_dma semaphore(%arg22 : memref<!tpu.dma_semaphore, #tpu.memory_space<semaphore_mem>>) src(%dma_wait3A_99 : memref<10000x80xi32, #tpu.memory_space<hbm>>) dst(%arg13 : memref<80x80xi32, #tpu.memory_space<vmem>>)
      %add3A_100 = arith.constant 1 : i32
      %add3A_101 = arith.addi %add3A_54, %add3A_100 : i32
      %scan3A_102 = arith.constant 0 : i32
      %scan3A_103 = arith.constant 5 : i32
      %scan3A_104 = arith.addi %scan3A_102, %scan3A_103 : i32
      %scan3A_105 = arith.constant 1 : i32
      scf.for %scan3A_163 = %scan3A_102 to %scan3A_104 step %scan3A_105  : i32 {
        %mul3A_164 = arith.constant 1 : i32
        %mul3A_165 = arith.muli %scan3A_163, %mul3A_164 : i32
        %add3A_166 = arith.constant 0 : i32
        %add3A_167 = arith.addi %add3A_166, %mul3A_165 : i32
        %mul3A_168 = arith.constant 16 : i32
        %mul3A_169 = arith.muli %add3A_167, %mul3A_168 : i32
        %add3A_170 = vector.broadcast %mul3A_169 : i32 to vector<16xi32>
        %add3A_171 = arith.addi %add3A_170, %iota3A : vector<16xi32>
        %broadcast_in_dim3A = arith.constant 0.000000e+00 : f32
        %broadcast_in_dim3A_172 = vector.broadcast %broadcast_in_dim3A : f32 to vector<16xf32>
        %broadcast_in_dim3A_173 = arith.constant 0.000000e+00 : f32
        %broadcast_in_dim3A_174 = vector.broadcast %broadcast_in_dim3A_173 : f32 to vector<16xf32>
        %broadcast_in_dim3A_175 = arith.constant 0.000000e+00 : f32
        %broadcast_in_dim3A_176 = vector.broadcast %broadcast_in_dim3A_175 : f32 to vector<16xf32>
        %broadcast_in_dim3A_177 = arith.constant 0.000000e+00 : f32
        %broadcast_in_dim3A_178 = vector.broadcast %broadcast_in_dim3A_177 : f32 to vector<16xf32>
        %broadcast_in_dim3A_179 = arith.constant 0.000000e+00 : f32
        %broadcast_in_dim3A_180 = vector.broadcast %broadcast_in_dim3A_179 : f32 to vector<16xf32>
        %broadcast_in_dim3A_181 = arith.constant 0.000000e+00 : f32
        %broadcast_in_dim3A_182 = vector.broadcast %broadcast_in_dim3A_181 : f32 to vector<16xf32>
        %broadcast_in_dim3A_183 = arith.constant 0.000000e+00 : f32
        %broadcast_in_dim3A_184 = vector.broadcast %broadcast_in_dim3A_183 : f32 to vector<16xf32>
        %broadcast_in_dim3A_185 = arith.constant 0.000000e+00 : f32
        %broadcast_in_dim3A_186 = vector.broadcast %broadcast_in_dim3A_185 : f32 to vector<16xf32>
        %scan3A_187 = arith.constant 0 : i32
        %scan3A_188 = arith.constant 64 : i32
        %scan3A_189 = arith.addi %scan3A_187, %scan3A_188 : i32
        %scan3A_190 = arith.constant 8 : i32
        %scan3A_191:9 = scf.for %scan3A_207 = %scan3A_187 to %scan3A_189 step %scan3A_190 iter_args(%scan3A_208 = %iota3A, %scan3A_209 = %broadcast_in_dim3A_172, %scan3A_210 = %broadcast_in_dim3A_174, %scan3A_211 = %broadcast_in_dim3A_176, %scan3A_212 = %broadcast_in_dim3A_178, %scan3A_213 = %broadcast_in_dim3A_180, %scan3A_214 = %broadcast_in_dim3A_182, %scan3A_215 = %broadcast_in_dim3A_184, %scan3A_216 = %broadcast_in_dim3A_186) -> (vector<16xi32>, vector<16xf32>, vector<16xf32>, vector<16xf32>, vector<16xf32>, vector<16xf32>, vector<16xf32>, vector<16xf32>, vector<16xf32>)  : i32 {
          %mul3A_217 = arith.constant 1 : i32
          %mul3A_218 = arith.muli %scan3A_207, %mul3A_217 : i32
          %add3A_219 = arith.constant 0 : i32
          %add3A_220 = arith.addi %add3A_219, %mul3A_218 : i32
          %gather3A = tpu.vector_load_idx %arg9[%add3A_171, %scan3A_208] : memref<80x80xi32, #tpu.memory_space<vmem>>[vector<16xi32>, vector<16xi32>], vector<16xi32>,
          %gather3A_221 = tpu.vector_load_idx %arg13[%add3A_171, %scan3A_208] : memref<80x80xi32, #tpu.memory_space<vmem>>[vector<16xi32>, vector<16xi32>], vector<16xi32>,
          %bitcast3A = vector.bitcast %gather3A : vector<16xi32> to vector<32xbf16>
          %bitcast3A_222 = vector.bitcast %gather3A_221 : vector<16xi32> to vector<32xbf16>
          %mul3A_223 = arith.mulf %bitcast3A, %bitcast3A_222 : vector<32xbf16>
          %unpack3A = tpu.unpack_subelements %mul3A_223, 0 {pack_format = #tpu.pack_format<interleaved>} : vector<32xbf16> -> vector<16xf32>
          %unpack3A_224 = tpu.unpack_subelements %mul3A_223, 1 {pack_format = #tpu.pack_format<interleaved>} : vector<32xbf16> -> vector<16xf32>
          %add3A_225 = arith.constant 1 : i32
          %add3A_226 = vector.broadcast %add3A_225 : i32 to vector<16xi32>
          %add3A_227 = arith.addi %scan3A_208, %add3A_226 : vector<16xi32>
          %add3A_228 = arith.addf %scan3A_209, %unpack3A : vector<16xf32>
          %add3A_229 = arith.addf %scan3A_210, %unpack3A_224 : vector<16xf32>
          %scan3A_230 = arith.constant 1 : i32
          %scan3A_231 = arith.addi %scan3A_207, %scan3A_230 : i32
          %mul3A_232 = arith.constant 1 : i32
          %mul3A_233 = arith.muli %scan3A_231, %mul3A_232 : i32
          %add3A_234 = arith.constant 0 : i32
          %add3A_235 = arith.addi %add3A_234, %mul3A_233 : i32
          %gather3A_236 = tpu.vector_load_idx %arg9[%add3A_171, %add3A_227] : memref<80x80xi32, #tpu.memory_space<vmem>>[vector<16xi32>, vector<16xi32>], vector<16xi32>,
          %gather3A_237 = tpu.vector_load_idx %arg13[%add3A_171, %add3A_227] : memref<80x80xi32, #tpu.memory_space<vmem>>[vector<16xi32>, vector<16xi32>], vector<16xi32>,
          %bitcast3A_238 = vector.bitcast %gather3A_236 : vector<16xi32> to vector<32xbf16>
          %bitcast3A_239 = vector.bitcast %gather3A_237 : vector<16xi32> to vector<32xbf16>
          %mul3A_240 = arith.mulf %bitcast3A_238, %bitcast3A_239 : vector<32xbf16>
          %unpack3A_241 = tpu.unpack_subelements %mul3A_240, 0 {pack_format = #tpu.pack_format<interleaved>} : vector<32xbf16> -> vector<16xf32>
          %unpack3A_242 = tpu.unpack_subelements %mul3A_240, 1 {pack_format = #tpu.pack_format<interleaved>} : vector<32xbf16> -> vector<16xf32>
          %add3A_243 = arith.constant 1 : i32
          %add3A_244 = vector.broadcast %add3A_243 : i32 to vector<16xi32>
          %add3A_245 = arith.addi %add3A_227, %add3A_244 : vector<16xi32>
          %add3A_246 = arith.addf %scan3A_211, %unpack3A_241 : vector<16xf32>
          %add3A_247 = arith.addf %scan3A_212, %unpack3A_242 : vector<16xf32>
          %scan3A_248 = arith.constant 2 : i32
          %scan3A_249 = arith.addi %scan3A_207, %scan3A_248 : i32
          %mul3A_250 = arith.constant 1 : i32
          %mul3A_251 = arith.muli %scan3A_249, %mul3A_250 : i32
          %add3A_252 = arith.constant 0 : i32
          %add3A_253 = arith.addi %add3A_252, %mul3A_251 : i32
          %gather3A_254 = tpu.vector_load_idx %arg9[%add3A_171, %add3A_245] : memref<80x80xi32, #tpu.memory_space<vmem>>[vector<16xi32>, vector<16xi32>], vector<16xi32>,
          %gather3A_255 = tpu.vector_load_idx %arg13[%add3A_171, %add3A_245] : memref<80x80xi32, #tpu.memory_space<vmem>>[vector<16xi32>, vector<16xi32>], vector<16xi32>,
          %bitcast3A_256 = vector.bitcast %gather3A_254 : vector<16xi32> to vector<32xbf16>
          %bitcast3A_257 = vector.bitcast %gather3A_255 : vector<16xi32> to vector<32xbf16>
          %mul3A_258 = arith.mulf %bitcast3A_256, %bitcast3A_257 : vector<32xbf16>
          %unpack3A_259 = tpu.unpack_subelements %mul3A_258, 0 {pack_format = #tpu.pack_format<interleaved>} : vector<32xbf16> -> vector<16xf32>
          %unpack3A_260 = tpu.unpack_subelements %mul3A_258, 1 {pack_format = #tpu.pack_format<interleaved>} : vector<32xbf16> -> vector<16xf32>
          %add3A_261 = arith.constant 1 : i32
          %add3A_262 = vector.broadcast %add3A_261 : i32 to vector<16xi32>
          %add3A_263 = arith.addi %add3A_245, %add3A_262 : vector<16xi32>
          %add3A_264 = arith.addf %scan3A_213, %unpack3A_259 : vector<16xf32>
          %add3A_265 = arith.addf %scan3A_214, %unpack3A_260 : vector<16xf32>
          %scan3A_266 = arith.constant 3 : i32
          %scan3A_267 = arith.addi %scan3A_207, %scan3A_266 : i32
          %mul3A_268 = arith.constant 1 : i32
          %mul3A_269 = arith.muli %scan3A_267, %mul3A_268 : i32
          %add3A_270 = arith.constant 0 : i32
          %add3A_271 = arith.addi %add3A_270, %mul3A_269 : i32
          %gather3A_272 = tpu.vector_load_idx %arg9[%add3A_171, %add3A_263] : memref<80x80xi32, #tpu.memory_space<vmem>>[vector<16xi32>, vector<16xi32>], vector<16xi32>,
          %gather3A_273 = tpu.vector_load_idx %arg13[%add3A_171, %add3A_263] : memref<80x80xi32, #tpu.memory_space<vmem>>[vector<16xi32>, vector<16xi32>], vector<16xi32>,
          %bitcast3A_274 = vector.bitcast %gather3A_272 : vector<16xi32> to vector<32xbf16>
          %bitcast3A_275 = vector.bitcast %gather3A_273 : vector<16xi32> to vector<32xbf16>
          %mul3A_276 = arith.mulf %bitcast3A_274, %bitcast3A_275 : vector<32xbf16>
          %unpack3A_277 = tpu.unpack_subelements %mul3A_276, 0 {pack_format = #tpu.pack_format<interleaved>} : vector<32xbf16> -> vector<16xf32>
          %unpack3A_278 = tpu.unpack_subelements %mul3A_276, 1 {pack_format = #tpu.pack_format<interleaved>} : vector<32xbf16> -> vector<16xf32>
          %add3A_279 = arith.constant 1 : i32
          %add3A_280 = vector.broadcast %add3A_279 : i32 to vector<16xi32>
          %add3A_281 = arith.addi %add3A_263, %add3A_280 : vector<16xi32>
          %add3A_282 = arith.addf %scan3A_215, %unpack3A_277 : vector<16xf32>
          %add3A_283 = arith.addf %scan3A_216, %unpack3A_278 : vector<16xf32>
          %scan3A_284 = arith.constant 4 : i32
          %scan3A_285 = arith.addi %scan3A_207, %scan3A_284 : i32
          %mul3A_286 = arith.constant 1 : i32
          %mul3A_287 = arith.muli %scan3A_285, %mul3A_286 : i32
          %add3A_288 = arith.constant 0 : i32
          %add3A_289 = arith.addi %add3A_288, %mul3A_287 : i32
          %gather3A_290 = tpu.vector_load_idx %arg9[%add3A_171, %add3A_281] : memref<80x80xi32, #tpu.memory_space<vmem>>[vector<16xi32>, vector<16xi32>], vector<16xi32>,
          %gather3A_291 = tpu.vector_load_idx %arg13[%add3A_171, %add3A_281] : memref<80x80xi32, #tpu.memory_space<vmem>>[vector<16xi32>, vector<16xi32>], vector<16xi32>,
          %bitcast3A_292 = vector.bitcast %gather3A_290 : vector<16xi32> to vector<32xbf16>
          %bitcast3A_293 = vector.bitcast %gather3A_291 : vector<16xi32> to vector<32xbf16>
          %mul3A_294 = arith.mulf %bitcast3A_292, %bitcast3A_293 : vector<32xbf16>
          %unpack3A_295 = tpu.unpack_subelements %mul3A_294, 0 {pack_format = #tpu.pack_format<interleaved>} : vector<32xbf16> -> vector<16xf32>
          %unpack3A_296 = tpu.unpack_subelements %mul3A_294, 1 {pack_format = #tpu.pack_format<interleaved>} : vector<32xbf16> -> vector<16xf32>
          %add3A_297 = arith.constant 1 : i32
          %add3A_298 = vector.broadcast %add3A_297 : i32 to vector<16xi32>
          %add3A_299 = arith.addi %add3A_281, %add3A_298 : vector<16xi32>
          %add3A_300 = arith.addf %add3A_228, %unpack3A_295 : vector<16xf32>
          %add3A_301 = arith.addf %add3A_229, %unpack3A_296 : vector<16xf32>
          %scan3A_302 = arith.constant 5 : i32
          %scan3A_303 = arith.addi %scan3A_207, %scan3A_302 : i32
          %mul3A_304 = arith.constant 1 : i32
          %mul3A_305 = arith.muli %scan3A_303, %mul3A_304 : i32
          %add3A_306 = arith.constant 0 : i32
          %add3A_307 = arith.addi %add3A_306, %mul3A_305 : i32
          %gather3A_308 = tpu.vector_load_idx %arg9[%add3A_171, %add3A_299] : memref<80x80xi32, #tpu.memory_space<vmem>>[vector<16xi32>, vector<16xi32>], vector<16xi32>,
          %gather3A_309 = tpu.vector_load_idx %arg13[%add3A_171, %add3A_299] : memref<80x80xi32, #tpu.memory_space<vmem>>[vector<16xi32>, vector<16xi32>], vector<16xi32>,
          %bitcast3A_310 = vector.bitcast %gather3A_308 : vector<16xi32> to vector<32xbf16>
          %bitcast3A_311 = vector.bitcast %gather3A_309 : vector<16xi32> to vector<32xbf16>
          %mul3A_312 = arith.mulf %bitcast3A_310, %bitcast3A_311 : vector<32xbf16>
          %unpack3A_313 = tpu.unpack_subelements %mul3A_312, 0 {pack_format = #tpu.pack_format<interleaved>} : vector<32xbf16> -> vector<16xf32>
          %unpack3A_314 = tpu.unpack_subelements %mul3A_312, 1 {pack_format = #tpu.pack_format<interleaved>} : vector<32xbf16> -> vector<16xf32>
          %add3A_315 = arith.constant 1 : i32
          %add3A_316 = vector.broadcast %add3A_315 : i32 to vector<16xi32>
          %add3A_317 = arith.addi %add3A_299, %add3A_316 : vector<16xi32>
          %add3A_318 = arith.addf %add3A_246, %unpack3A_313 : vector<16xf32>
          %add3A_319 = arith.addf %add3A_247, %unpack3A_314 : vector<16xf32>
          %scan3A_320 = arith.constant 6 : i32
          %scan3A_321 = arith.addi %scan3A_207, %scan3A_320 : i32
          %mul3A_322 = arith.constant 1 : i32
          %mul3A_323 = arith.muli %scan3A_321, %mul3A_322 : i32
          %add3A_324 = arith.constant 0 : i32
          %add3A_325 = arith.addi %add3A_324, %mul3A_323 : i32
          %gather3A_326 = tpu.vector_load_idx %arg9[%add3A_171, %add3A_317] : memref<80x80xi32, #tpu.memory_space<vmem>>[vector<16xi32>, vector<16xi32>], vector<16xi32>,
          %gather3A_327 = tpu.vector_load_idx %arg13[%add3A_171, %add3A_317] : memref<80x80xi32, #tpu.memory_space<vmem>>[vector<16xi32>, vector<16xi32>], vector<16xi32>,
          %bitcast3A_328 = vector.bitcast %gather3A_326 : vector<16xi32> to vector<32xbf16>
          %bitcast3A_329 = vector.bitcast %gather3A_327 : vector<16xi32> to vector<32xbf16>
          %mul3A_330 = arith.mulf %bitcast3A_328, %bitcast3A_329 : vector<32xbf16>
          %unpack3A_331 = tpu.unpack_subelements %mul3A_330, 0 {pack_format = #tpu.pack_format<interleaved>} : vector<32xbf16> -> vector<16xf32>
          %unpack3A_332 = tpu.unpack_subelements %mul3A_330, 1 {pack_format = #tpu.pack_format<interleaved>} : vector<32xbf16> -> vector<16xf32>
          %add3A_333 = arith.constant 1 : i32
          %add3A_334 = vector.broadcast %add3A_333 : i32 to vector<16xi32>
          %add3A_335 = arith.addi %add3A_317, %add3A_334 : vector<16xi32>
          %add3A_336 = arith.addf %add3A_264, %unpack3A_331 : vector<16xf32>
          %add3A_337 = arith.addf %add3A_265, %unpack3A_332 : vector<16xf32>
          %scan3A_338 = arith.constant 7 : i32
          %scan3A_339 = arith.addi %scan3A_207, %scan3A_338 : i32
          %mul3A_340 = arith.constant 1 : i32
          %mul3A_341 = arith.muli %scan3A_339, %mul3A_340 : i32
          %add3A_342 = arith.constant 0 : i32
          %add3A_343 = arith.addi %add3A_342, %mul3A_341 : i32
          %gather3A_344 = tpu.vector_load_idx %arg9[%add3A_171, %add3A_335] : memref<80x80xi32, #tpu.memory_space<vmem>>[vector<16xi32>, vector<16xi32>], vector<16xi32>,
          %gather3A_345 = tpu.vector_load_idx %arg13[%add3A_171, %add3A_335] : memref<80x80xi32, #tpu.memory_space<vmem>>[vector<16xi32>, vector<16xi32>], vector<16xi32>,
          %bitcast3A_346 = vector.bitcast %gather3A_344 : vector<16xi32> to vector<32xbf16>
          %bitcast3A_347 = vector.bitcast %gather3A_345 : vector<16xi32> to vector<32xbf16>
          %mul3A_348 = arith.mulf %bitcast3A_346, %bitcast3A_347 : vector<32xbf16>
          %unpack3A_349 = tpu.unpack_subelements %mul3A_348, 0 {pack_format = #tpu.pack_format<interleaved>} : vector<32xbf16> -> vector<16xf32>
          %unpack3A_350 = tpu.unpack_subelements %mul3A_348, 1 {pack_format = #tpu.pack_format<interleaved>} : vector<32xbf16> -> vector<16xf32>
          %add3A_351 = arith.constant 1 : i32
          %add3A_352 = vector.broadcast %add3A_351 : i32 to vector<16xi32>
          %add3A_353 = arith.addi %add3A_335, %add3A_352 : vector<16xi32>
          %add3A_354 = arith.addf %add3A_282, %unpack3A_349 : vector<16xf32>
          %add3A_355 = arith.addf %add3A_283, %unpack3A_350 : vector<16xf32>
          scf.yield %add3A_353, %add3A_300, %add3A_301, %add3A_318, %add3A_319, %add3A_336, %add3A_337, %add3A_354, %add3A_355 : vector<16xi32>, vector<16xf32>, vector<16xf32>, vector<16xf32>, vector<16xf32>, vector<16xf32>, vector<16xf32>, vector<16xf32>, vector<16xf32>
        }
        %scan3A_192 = arith.constant 64 : i32
        %add3A_193 = arith.addf %scan3A_191#1, %scan3A_191#2 : vector<16xf32>
        %add3A_194 = arith.addf %scan3A_191#3, %scan3A_191#4 : vector<16xf32>
        %add3A_195 = arith.addf %add3A_193, %add3A_194 : vector<16xf32>
        %add3A_196 = arith.addf %scan3A_191#5, %scan3A_191#6 : vector<16xf32>
        %add3A_197 = arith.addf %scan3A_191#7, %scan3A_191#8 : vector<16xf32>
        %add3A_198 = arith.addf %add3A_196, %add3A_197 : vector<16xf32>
        %add3A_199 = arith.addf %add3A_195, %add3A_198 : vector<16xf32>
        %mul3A_200 = arith.constant 80 : i32
        %mul3A_201 = arith.muli %add3A_101, %mul3A_200 : i32
        %mul3A_202 = arith.constant 16 : i32
        %mul3A_203 = arith.muli %add3A_167, %mul3A_202 : i32
        %add3A_204 = arith.addi %mul3A_201, %mul3A_203 : i32
        %multiple_of3A_205 = tpu.assume_multiple %add3A_204, 8 : i32
        %swap3A = arith.index_cast %multiple_of3A_205 : i32 to index
        %swap3A_206 = tpu.vector_load %arg16[%swap3A] {strides = array<i32>} : memref<10000xf32, #tpu.memory_space<vmem>>, vector<16xf32>,
        tpu.vector_store %arg16[%swap3A], %add3A_199 {strides = array<i32>} : memref<10000xf32, #tpu.memory_space<vmem>>, vector<16xf32>,
      }
      %scan3A_106 = arith.constant 5 : i32
      %add3A_107 = arith.constant 2 : i32
      %add3A_108 = arith.addi %add3A_54, %add3A_107 : i32
      %add3A_109 = arith.constant 4 : i32
      %add3A_110 = arith.addi %add3A_108, %add3A_109 : i32
      %sub3A_111 = arith.constant 1 : i32
      %sub3A_112 = arith.subi %add3A_110, %sub3A_111 : i32
      %lt3A_113 = arith.constant 125 : i32
      %lt3A_114 = arith.cmpi slt, %sub3A_112, %lt3A_113 : i32
      %convert_element_type3A_115 = arith.extui %lt3A_114 : i1 to i32
      %cond3A_116 = arith.constant 0 : i32
      %cond3A_117 = arith.cmpi ne, %convert_element_type3A_115, %cond3A_116 : i32
      scf.if %cond3A_117 {
        %mul3A_163 = arith.constant 80 : i32
        %mul3A_164 = arith.muli %sub3A_112, %mul3A_163 : i32
        %multiple_of3A_165 = tpu.assume_multiple %mul3A_164, 8 : i32
        %dma_start3A_166 = tpu.memref_slice %arg6[%multiple_of3A_165] : memref<10000xi32, #tpu.memory_space<vmem>> -> memref<80xi32, #tpu.memory_space<vmem>>
        %dma_start3A_167 = arith.constant 0 : i32
        %dma_start3A_168 = arith.constant 0 : i32
        %dma_start3A_169 = tpu.memref_slice %arg2[%dma_start3A_167, %dma_start3A_168] : memref<10000x80xi32, #tpu.memory_space<hbm>> -> memref<10000x80xi32, #tpu.memory_space<hbm>>
        tpu.enqueue_indirect_dma source(%dma_start3A_169 : memref<10000x80xi32, #tpu.memory_space<hbm>>) target(%arg9 : memref<80x80xi32, #tpu.memory_space<vmem>>) offsets(%dma_start3A_166 : memref<80xi32, #tpu.memory_space<vmem>>) semaphore(%arg18 : memref<!tpu.dma_semaphore, #tpu.memory_space<semaphore_mem>>)
        %dma_start3A_170 = tpu.memref_slice %arg7[%multiple_of3A_165] : memref<10000xi32, #tpu.memory_space<vmem>> -> memref<80xi32, #tpu.memory_space<vmem>>
        %dma_start3A_171 = arith.constant 0 : i32
        %dma_start3A_172 = arith.constant 0 : i32
        %dma_start3A_173 = tpu.memref_slice %arg2[%dma_start3A_171, %dma_start3A_172] : memref<10000x80xi32, #tpu.memory_space<hbm>> -> memref<10000x80xi32, #tpu.memory_space<hbm>>
        tpu.enqueue_indirect_dma source(%dma_start3A_173 : memref<10000x80xi32, #tpu.memory_space<hbm>>) target(%arg13 : memref<80x80xi32, #tpu.memory_space<vmem>>) offsets(%dma_start3A_170 : memref<80xi32, #tpu.memory_space<vmem>>) semaphore(%arg22 : memref<!tpu.dma_semaphore, #tpu.memory_space<semaphore_mem>>)
      } else {
      }
      %dma_wait3A_118 = arith.constant 0 : i32
      %dma_wait3A_119 = tpu.memref_slice %arg6[%dma_wait3A_118] : memref<10000xi32, #tpu.memory_space<vmem>> -> memref<80xi32, #tpu.memory_space<vmem>>
      %dma_wait3A_120 = arith.constant 0 : i32
      %dma_wait3A_121 = arith.constant 0 : i32
      %dma_wait3A_122 = tpu.memref_slice %arg2[%dma_wait3A_120, %dma_wait3A_121] : memref<10000x80xi32, #tpu.memory_space<hbm>> -> memref<10000x80xi32, #tpu.memory_space<hbm>>
      tpu.wait_indirect_dma semaphore(%arg19 : memref<!tpu.dma_semaphore, #tpu.memory_space<semaphore_mem>>) src(%dma_wait3A_122 : memref<10000x80xi32, #tpu.memory_space<hbm>>) dst(%arg10 : memref<80x80xi32, #tpu.memory_space<vmem>>)
      %dma_wait3A_123 = arith.constant 0 : i32
      %dma_wait3A_124 = tpu.memref_slice %arg7[%dma_wait3A_123] : memref<10000xi32, #tpu.memory_space<vmem>> -> memref<80xi32, #tpu.memory_space<vmem>>
      %dma_wait3A_125 = arith.constant 0 : i32
      %dma_wait3A_126 = arith.constant 0 : i32
      %dma_wait3A_127 = tpu.memref_slice %arg2[%dma_wait3A_125, %dma_wait3A_126] : memref<10000x80xi32, #tpu.memory_space<hbm>> -> memref<10000x80xi32, #tpu.memory_space<hbm>>
      tpu.wait_indirect_dma semaphore(%arg23 : memref<!tpu.dma_semaphore, #tpu.memory_space<semaphore_mem>>) src(%dma_wait3A_127 : memref<10000x80xi32, #tpu.memory_space<hbm>>) dst(%arg14 : memref<80x80xi32, #tpu.memory_space<vmem>>)
      %add3A_128 = arith.constant 2 : i32
      %add3A_129 = arith.addi %add3A_54, %add3A_128 : i32
      %scan3A_130 = arith.constant 0 : i32
      %scan3A_131 = arith.constant 5 : i32
      %scan3A_132 = arith.addi %scan3A_130, %scan3A_131 : i32
      %scan3A_133 = arith.constant 1 : i32
      scf.for %scan3A_163 = %scan3A_130 to %scan3A_132 step %scan3A_133  : i32 {
        %mul3A_164 = arith.constant 1 : i32
        %mul3A_165 = arith.muli %scan3A_163, %mul3A_164 : i32
        %add3A_166 = arith.constant 0 : i32
        %add3A_167 = arith.addi %add3A_166, %mul3A_165 : i32
        %mul3A_168 = arith.constant 16 : i32
        %mul3A_169 = arith.muli %add3A_167, %mul3A_168 : i32
        %add3A_170 = vector.broadcast %mul3A_169 : i32 to vector<16xi32>
        %add3A_171 = arith.addi %add3A_170, %iota3A : vector<16xi32>
        %broadcast_in_dim3A = arith.constant 0.000000e+00 : f32
        %broadcast_in_dim3A_172 = vector.broadcast %broadcast_in_dim3A : f32 to vector<16xf32>
        %broadcast_in_dim3A_173 = arith.constant 0.000000e+00 : f32
        %broadcast_in_dim3A_174 = vector.broadcast %broadcast_in_dim3A_173 : f32 to vector<16xf32>
        %broadcast_in_dim3A_175 = arith.constant 0.000000e+00 : f32
        %broadcast_in_dim3A_176 = vector.broadcast %broadcast_in_dim3A_175 : f32 to vector<16xf32>
        %broadcast_in_dim3A_177 = arith.constant 0.000000e+00 : f32
        %broadcast_in_dim3A_178 = vector.broadcast %broadcast_in_dim3A_177 : f32 to vector<16xf32>
        %broadcast_in_dim3A_179 = arith.constant 0.000000e+00 : f32
        %broadcast_in_dim3A_180 = vector.broadcast %broadcast_in_dim3A_179 : f32 to vector<16xf32>
        %broadcast_in_dim3A_181 = arith.constant 0.000000e+00 : f32
        %broadcast_in_dim3A_182 = vector.broadcast %broadcast_in_dim3A_181 : f32 to vector<16xf32>
        %broadcast_in_dim3A_183 = arith.constant 0.000000e+00 : f32
        %broadcast_in_dim3A_184 = vector.broadcast %broadcast_in_dim3A_183 : f32 to vector<16xf32>
        %broadcast_in_dim3A_185 = arith.constant 0.000000e+00 : f32
        %broadcast_in_dim3A_186 = vector.broadcast %broadcast_in_dim3A_185 : f32 to vector<16xf32>
        %scan3A_187 = arith.constant 0 : i32
        %scan3A_188 = arith.constant 64 : i32
        %scan3A_189 = arith.addi %scan3A_187, %scan3A_188 : i32
        %scan3A_190 = arith.constant 8 : i32
        %scan3A_191:9 = scf.for %scan3A_207 = %scan3A_187 to %scan3A_189 step %scan3A_190 iter_args(%scan3A_208 = %iota3A, %scan3A_209 = %broadcast_in_dim3A_172, %scan3A_210 = %broadcast_in_dim3A_174, %scan3A_211 = %broadcast_in_dim3A_176, %scan3A_212 = %broadcast_in_dim3A_178, %scan3A_213 = %broadcast_in_dim3A_180, %scan3A_214 = %broadcast_in_dim3A_182, %scan3A_215 = %broadcast_in_dim3A_184, %scan3A_216 = %broadcast_in_dim3A_186) -> (vector<16xi32>, vector<16xf32>, vector<16xf32>, vector<16xf32>, vector<16xf32>, vector<16xf32>, vector<16xf32>, vector<16xf32>, vector<16xf32>)  : i32 {
          %mul3A_217 = arith.constant 1 : i32
          %mul3A_218 = arith.muli %scan3A_207, %mul3A_217 : i32
          %add3A_219 = arith.constant 0 : i32
          %add3A_220 = arith.addi %add3A_219, %mul3A_218 : i32
          %gather3A = tpu.vector_load_idx %arg10[%add3A_171, %scan3A_208] : memref<80x80xi32, #tpu.memory_space<vmem>>[vector<16xi32>, vector<16xi32>], vector<16xi32>,
          %gather3A_221 = tpu.vector_load_idx %arg14[%add3A_171, %scan3A_208] : memref<80x80xi32, #tpu.memory_space<vmem>>[vector<16xi32>, vector<16xi32>], vector<16xi32>,
          %bitcast3A = vector.bitcast %gather3A : vector<16xi32> to vector<32xbf16>
          %bitcast3A_222 = vector.bitcast %gather3A_221 : vector<16xi32> to vector<32xbf16>
          %mul3A_223 = arith.mulf %bitcast3A, %bitcast3A_222 : vector<32xbf16>
          %unpack3A = tpu.unpack_subelements %mul3A_223, 0 {pack_format = #tpu.pack_format<interleaved>} : vector<32xbf16> -> vector<16xf32>
          %unpack3A_224 = tpu.unpack_subelements %mul3A_223, 1 {pack_format = #tpu.pack_format<interleaved>} : vector<32xbf16> -> vector<16xf32>
          %add3A_225 = arith.constant 1 : i32
          %add3A_226 = vector.broadcast %add3A_225 : i32 to vector<16xi32>
          %add3A_227 = arith.addi %scan3A_208, %add3A_226 : vector<16xi32>
          %add3A_228 = arith.addf %scan3A_209, %unpack3A : vector<16xf32>
          %add3A_229 = arith.addf %scan3A_210, %unpack3A_224 : vector<16xf32>
          %scan3A_230 = arith.constant 1 : i32
          %scan3A_231 = arith.addi %scan3A_207, %scan3A_230 : i32
          %mul3A_232 = arith.constant 1 : i32
          %mul3A_233 = arith.muli %scan3A_231, %mul3A_232 : i32
          %add3A_234 = arith.constant 0 : i32
          %add3A_235 = arith.addi %add3A_234, %mul3A_233 : i32
          %gather3A_236 = tpu.vector_load_idx %arg10[%add3A_171, %add3A_227] : memref<80x80xi32, #tpu.memory_space<vmem>>[vector<16xi32>, vector<16xi32>], vector<16xi32>,
          %gather3A_237 = tpu.vector_load_idx %arg14[%add3A_171, %add3A_227] : memref<80x80xi32, #tpu.memory_space<vmem>>[vector<16xi32>, vector<16xi32>], vector<16xi32>,
          %bitcast3A_238 = vector.bitcast %gather3A_236 : vector<16xi32> to vector<32xbf16>
          %bitcast3A_239 = vector.bitcast %gather3A_237 : vector<16xi32> to vector<32xbf16>
          %mul3A_240 = arith.mulf %bitcast3A_238, %bitcast3A_239 : vector<32xbf16>
          %unpack3A_241 = tpu.unpack_subelements %mul3A_240, 0 {pack_format = #tpu.pack_format<interleaved>} : vector<32xbf16> -> vector<16xf32>
          %unpack3A_242 = tpu.unpack_subelements %mul3A_240, 1 {pack_format = #tpu.pack_format<interleaved>} : vector<32xbf16> -> vector<16xf32>
          %add3A_243 = arith.constant 1 : i32
          %add3A_244 = vector.broadcast %add3A_243 : i32 to vector<16xi32>
          %add3A_245 = arith.addi %add3A_227, %add3A_244 : vector<16xi32>
          %add3A_246 = arith.addf %scan3A_211, %unpack3A_241 : vector<16xf32>
          %add3A_247 = arith.addf %scan3A_212, %unpack3A_242 : vector<16xf32>
          %scan3A_248 = arith.constant 2 : i32
          %scan3A_249 = arith.addi %scan3A_207, %scan3A_248 : i32
          %mul3A_250 = arith.constant 1 : i32
          %mul3A_251 = arith.muli %scan3A_249, %mul3A_250 : i32
          %add3A_252 = arith.constant 0 : i32
          %add3A_253 = arith.addi %add3A_252, %mul3A_251 : i32
          %gather3A_254 = tpu.vector_load_idx %arg10[%add3A_171, %add3A_245] : memref<80x80xi32, #tpu.memory_space<vmem>>[vector<16xi32>, vector<16xi32>], vector<16xi32>,
          %gather3A_255 = tpu.vector_load_idx %arg14[%add3A_171, %add3A_245] : memref<80x80xi32, #tpu.memory_space<vmem>>[vector<16xi32>, vector<16xi32>], vector<16xi32>,
          %bitcast3A_256 = vector.bitcast %gather3A_254 : vector<16xi32> to vector<32xbf16>
          %bitcast3A_257 = vector.bitcast %gather3A_255 : vector<16xi32> to vector<32xbf16>
          %mul3A_258 = arith.mulf %bitcast3A_256, %bitcast3A_257 : vector<32xbf16>
          %unpack3A_259 = tpu.unpack_subelements %mul3A_258, 0 {pack_format = #tpu.pack_format<interleaved>} : vector<32xbf16> -> vector<16xf32>
          %unpack3A_260 = tpu.unpack_subelements %mul3A_258, 1 {pack_format = #tpu.pack_format<interleaved>} : vector<32xbf16> -> vector<16xf32>
          %add3A_261 = arith.constant 1 : i32
          %add3A_262 = vector.broadcast %add3A_261 : i32 to vector<16xi32>
          %add3A_263 = arith.addi %add3A_245, %add3A_262 : vector<16xi32>
          %add3A_264 = arith.addf %scan3A_213, %unpack3A_259 : vector<16xf32>
          %add3A_265 = arith.addf %scan3A_214, %unpack3A_260 : vector<16xf32>
          %scan3A_266 = arith.constant 3 : i32
          %scan3A_267 = arith.addi %scan3A_207, %scan3A_266 : i32
          %mul3A_268 = arith.constant 1 : i32
          %mul3A_269 = arith.muli %scan3A_267, %mul3A_268 : i32
          %add3A_270 = arith.constant 0 : i32
          %add3A_271 = arith.addi %add3A_270, %mul3A_269 : i32
          %gather3A_272 = tpu.vector_load_idx %arg10[%add3A_171, %add3A_263] : memref<80x80xi32, #tpu.memory_space<vmem>>[vector<16xi32>, vector<16xi32>], vector<16xi32>,
          %gather3A_273 = tpu.vector_load_idx %arg14[%add3A_171, %add3A_263] : memref<80x80xi32, #tpu.memory_space<vmem>>[vector<16xi32>, vector<16xi32>], vector<16xi32>,
          %bitcast3A_274 = vector.bitcast %gather3A_272 : vector<16xi32> to vector<32xbf16>
          %bitcast3A_275 = vector.bitcast %gather3A_273 : vector<16xi32> to vector<32xbf16>
          %mul3A_276 = arith.mulf %bitcast3A_274, %bitcast3A_275 : vector<32xbf16>
          %unpack3A_277 = tpu.unpack_subelements %mul3A_276, 0 {pack_format = #tpu.pack_format<interleaved>} : vector<32xbf16> -> vector<16xf32>
          %unpack3A_278 = tpu.unpack_subelements %mul3A_276, 1 {pack_format = #tpu.pack_format<interleaved>} : vector<32xbf16> -> vector<16xf32>
          %add3A_279 = arith.constant 1 : i32
          %add3A_280 = vector.broadcast %add3A_279 : i32 to vector<16xi32>
          %add3A_281 = arith.addi %add3A_263, %add3A_280 : vector<16xi32>
          %add3A_282 = arith.addf %scan3A_215, %unpack3A_277 : vector<16xf32>
          %add3A_283 = arith.addf %scan3A_216, %unpack3A_278 : vector<16xf32>
          %scan3A_284 = arith.constant 4 : i32
          %scan3A_285 = arith.addi %scan3A_207, %scan3A_284 : i32
          %mul3A_286 = arith.constant 1 : i32
          %mul3A_287 = arith.muli %scan3A_285, %mul3A_286 : i32
          %add3A_288 = arith.constant 0 : i32
          %add3A_289 = arith.addi %add3A_288, %mul3A_287 : i32
          %gather3A_290 = tpu.vector_load_idx %arg10[%add3A_171, %add3A_281] : memref<80x80xi32, #tpu.memory_space<vmem>>[vector<16xi32>, vector<16xi32>], vector<16xi32>,
          %gather3A_291 = tpu.vector_load_idx %arg14[%add3A_171, %add3A_281] : memref<80x80xi32, #tpu.memory_space<vmem>>[vector<16xi32>, vector<16xi32>], vector<16xi32>,
          %bitcast3A_292 = vector.bitcast %gather3A_290 : vector<16xi32> to vector<32xbf16>
          %bitcast3A_293 = vector.bitcast %gather3A_291 : vector<16xi32> to vector<32xbf16>
          %mul3A_294 = arith.mulf %bitcast3A_292, %bitcast3A_293 : vector<32xbf16>
          %unpack3A_295 = tpu.unpack_subelements %mul3A_294, 0 {pack_format = #tpu.pack_format<interleaved>} : vector<32xbf16> -> vector<16xf32>
          %unpack3A_296 = tpu.unpack_subelements %mul3A_294, 1 {pack_format = #tpu.pack_format<interleaved>} : vector<32xbf16> -> vector<16xf32>
          %add3A_297 = arith.constant 1 : i32
          %add3A_298 = vector.broadcast %add3A_297 : i32 to vector<16xi32>
          %add3A_299 = arith.addi %add3A_281, %add3A_298 : vector<16xi32>
          %add3A_300 = arith.addf %add3A_228, %unpack3A_295 : vector<16xf32>
          %add3A_301 = arith.addf %add3A_229, %unpack3A_296 : vector<16xf32>
          %scan3A_302 = arith.constant 5 : i32
          %scan3A_303 = arith.addi %scan3A_207, %scan3A_302 : i32
          %mul3A_304 = arith.constant 1 : i32
          %mul3A_305 = arith.muli %scan3A_303, %mul3A_304 : i32
          %add3A_306 = arith.constant 0 : i32
          %add3A_307 = arith.addi %add3A_306, %mul3A_305 : i32
          %gather3A_308 = tpu.vector_load_idx %arg10[%add3A_171, %add3A_299] : memref<80x80xi32, #tpu.memory_space<vmem>>[vector<16xi32>, vector<16xi32>], vector<16xi32>,
          %gather3A_309 = tpu.vector_load_idx %arg14[%add3A_171, %add3A_299] : memref<80x80xi32, #tpu.memory_space<vmem>>[vector<16xi32>, vector<16xi32>], vector<16xi32>,
          %bitcast3A_310 = vector.bitcast %gather3A_308 : vector<16xi32> to vector<32xbf16>
          %bitcast3A_311 = vector.bitcast %gather3A_309 : vector<16xi32> to vector<32xbf16>
          %mul3A_312 = arith.mulf %bitcast3A_310, %bitcast3A_311 : vector<32xbf16>
          %unpack3A_313 = tpu.unpack_subelements %mul3A_312, 0 {pack_format = #tpu.pack_format<interleaved>} : vector<32xbf16> -> vector<16xf32>
          %unpack3A_314 = tpu.unpack_subelements %mul3A_312, 1 {pack_format = #tpu.pack_format<interleaved>} : vector<32xbf16> -> vector<16xf32>
          %add3A_315 = arith.constant 1 : i32
          %add3A_316 = vector.broadcast %add3A_315 : i32 to vector<16xi32>
          %add3A_317 = arith.addi %add3A_299, %add3A_316 : vector<16xi32>
          %add3A_318 = arith.addf %add3A_246, %unpack3A_313 : vector<16xf32>
          %add3A_319 = arith.addf %add3A_247, %unpack3A_314 : vector<16xf32>
          %scan3A_320 = arith.constant 6 : i32
          %scan3A_321 = arith.addi %scan3A_207, %scan3A_320 : i32
          %mul3A_322 = arith.constant 1 : i32
          %mul3A_323 = arith.muli %scan3A_321, %mul3A_322 : i32
          %add3A_324 = arith.constant 0 : i32
          %add3A_325 = arith.addi %add3A_324, %mul3A_323 : i32
          %gather3A_326 = tpu.vector_load_idx %arg10[%add3A_171, %add3A_317] : memref<80x80xi32, #tpu.memory_space<vmem>>[vector<16xi32>, vector<16xi32>], vector<16xi32>,
          %gather3A_327 = tpu.vector_load_idx %arg14[%add3A_171, %add3A_317] : memref<80x80xi32, #tpu.memory_space<vmem>>[vector<16xi32>, vector<16xi32>], vector<16xi32>,
          %bitcast3A_328 = vector.bitcast %gather3A_326 : vector<16xi32> to vector<32xbf16>
          %bitcast3A_329 = vector.bitcast %gather3A_327 : vector<16xi32> to vector<32xbf16>
          %mul3A_330 = arith.mulf %bitcast3A_328, %bitcast3A_329 : vector<32xbf16>
          %unpack3A_331 = tpu.unpack_subelements %mul3A_330, 0 {pack_format = #tpu.pack_format<interleaved>} : vector<32xbf16> -> vector<16xf32>
          %unpack3A_332 = tpu.unpack_subelements %mul3A_330, 1 {pack_format = #tpu.pack_format<interleaved>} : vector<32xbf16> -> vector<16xf32>
          %add3A_333 = arith.constant 1 : i32
          %add3A_334 = vector.broadcast %add3A_333 : i32 to vector<16xi32>
          %add3A_335 = arith.addi %add3A_317, %add3A_334 : vector<16xi32>
          %add3A_336 = arith.addf %add3A_264, %unpack3A_331 : vector<16xf32>
          %add3A_337 = arith.addf %add3A_265, %unpack3A_332 : vector<16xf32>
          %scan3A_338 = arith.constant 7 : i32
          %scan3A_339 = arith.addi %scan3A_207, %scan3A_338 : i32
          %mul3A_340 = arith.constant 1 : i32
          %mul3A_341 = arith.muli %scan3A_339, %mul3A_340 : i32
          %add3A_342 = arith.constant 0 : i32
          %add3A_343 = arith.addi %add3A_342, %mul3A_341 : i32
          %gather3A_344 = tpu.vector_load_idx %arg10[%add3A_171, %add3A_335] : memref<80x80xi32, #tpu.memory_space<vmem>>[vector<16xi32>, vector<16xi32>], vector<16xi32>,
          %gather3A_345 = tpu.vector_load_idx %arg14[%add3A_171, %add3A_335] : memref<80x80xi32, #tpu.memory_space<vmem>>[vector<16xi32>, vector<16xi32>], vector<16xi32>,
          %bitcast3A_346 = vector.bitcast %gather3A_344 : vector<16xi32> to vector<32xbf16>
          %bitcast3A_347 = vector.bitcast %gather3A_345 : vector<16xi32> to vector<32xbf16>
          %mul3A_348 = arith.mulf %bitcast3A_346, %bitcast3A_347 : vector<32xbf16>
          %unpack3A_349 = tpu.unpack_subelements %mul3A_348, 0 {pack_format = #tpu.pack_format<interleaved>} : vector<32xbf16> -> vector<16xf32>
          %unpack3A_350 = tpu.unpack_subelements %mul3A_348, 1 {pack_format = #tpu.pack_format<interleaved>} : vector<32xbf16> -> vector<16xf32>
          %add3A_351 = arith.constant 1 : i32
          %add3A_352 = vector.broadcast %add3A_351 : i32 to vector<16xi32>
          %add3A_353 = arith.addi %add3A_335, %add3A_352 : vector<16xi32>
          %add3A_354 = arith.addf %add3A_282, %unpack3A_349 : vector<16xf32>
          %add3A_355 = arith.addf %add3A_283, %unpack3A_350 : vector<16xf32>
          scf.yield %add3A_353, %add3A_300, %add3A_301, %add3A_318, %add3A_319, %add3A_336, %add3A_337, %add3A_354, %add3A_355 : vector<16xi32>, vector<16xf32>, vector<16xf32>, vector<16xf32>, vector<16xf32>, vector<16xf32>, vector<16xf32>, vector<16xf32>, vector<16xf32>
        }
        %scan3A_192 = arith.constant 64 : i32
        %add3A_193 = arith.addf %scan3A_191#1, %scan3A_191#2 : vector<16xf32>
        %add3A_194 = arith.addf %scan3A_191#3, %scan3A_191#4 : vector<16xf32>
        %add3A_195 = arith.addf %add3A_193, %add3A_194 : vector<16xf32>
        %add3A_196 = arith.addf %scan3A_191#5, %scan3A_191#6 : vector<16xf32>
        %add3A_197 = arith.addf %scan3A_191#7, %scan3A_191#8 : vector<16xf32>
        %add3A_198 = arith.addf %add3A_196, %add3A_197 : vector<16xf32>
        %add3A_199 = arith.addf %add3A_195, %add3A_198 : vector<16xf32>
        %mul3A_200 = arith.constant 80 : i32
        %mul3A_201 = arith.muli %add3A_129, %mul3A_200 : i32
        %mul3A_202 = arith.constant 16 : i32
        %mul3A_203 = arith.muli %add3A_167, %mul3A_202 : i32
        %add3A_204 = arith.addi %mul3A_201, %mul3A_203 : i32
        %multiple_of3A_205 = tpu.assume_multiple %add3A_204, 8 : i32
        %swap3A = arith.index_cast %multiple_of3A_205 : i32 to index
        %swap3A_206 = tpu.vector_load %arg16[%swap3A] {strides = array<i32>} : memref<10000xf32, #tpu.memory_space<vmem>>, vector<16xf32>,
        tpu.vector_store %arg16[%swap3A], %add3A_199 {strides = array<i32>} : memref<10000xf32, #tpu.memory_space<vmem>>, vector<16xf32>,
      }
      %scan3A_134 = arith.constant 5 : i32
      %add3A_135 = arith.constant 3 : i32
      %add3A_136 = arith.addi %add3A_54, %add3A_135 : i32
      %add3A_137 = arith.constant 4 : i32
      %add3A_138 = arith.addi %add3A_136, %add3A_137 : i32
      %sub3A_139 = arith.constant 1 : i32
      %sub3A_140 = arith.subi %add3A_138, %sub3A_139 : i32
      %lt3A_141 = arith.constant 125 : i32
      %lt3A_142 = arith.cmpi slt, %sub3A_140, %lt3A_141 : i32
      %convert_element_type3A_143 = arith.extui %lt3A_142 : i1 to i32
      %cond3A_144 = arith.constant 0 : i32
      %cond3A_145 = arith.cmpi ne, %convert_element_type3A_143, %cond3A_144 : i32
      scf.if %cond3A_145 {
        %mul3A_163 = arith.constant 80 : i32
        %mul3A_164 = arith.muli %sub3A_140, %mul3A_163 : i32
        %multiple_of3A_165 = tpu.assume_multiple %mul3A_164, 8 : i32
        %dma_start3A_166 = tpu.memref_slice %arg6[%multiple_of3A_165] : memref<10000xi32, #tpu.memory_space<vmem>> -> memref<80xi32, #tpu.memory_space<vmem>>
        %dma_start3A_167 = arith.constant 0 : i32
        %dma_start3A_168 = arith.constant 0 : i32
        %dma_start3A_169 = tpu.memref_slice %arg2[%dma_start3A_167, %dma_start3A_168] : memref<10000x80xi32, #tpu.memory_space<hbm>> -> memref<10000x80xi32, #tpu.memory_space<hbm>>
        tpu.enqueue_indirect_dma source(%dma_start3A_169 : memref<10000x80xi32, #tpu.memory_space<hbm>>) target(%arg10 : memref<80x80xi32, #tpu.memory_space<vmem>>) offsets(%dma_start3A_166 : memref<80xi32, #tpu.memory_space<vmem>>) semaphore(%arg19 : memref<!tpu.dma_semaphore, #tpu.memory_space<semaphore_mem>>)
        %dma_start3A_170 = tpu.memref_slice %arg7[%multiple_of3A_165] : memref<10000xi32, #tpu.memory_space<vmem>> -> memref<80xi32, #tpu.memory_space<vmem>>
        %dma_start3A_171 = arith.constant 0 : i32
        %dma_start3A_172 = arith.constant 0 : i32
        %dma_start3A_173 = tpu.memref_slice %arg2[%dma_start3A_171, %dma_start3A_172] : memref<10000x80xi32, #tpu.memory_space<hbm>> -> memref<10000x80xi32, #tpu.memory_space<hbm>>
        tpu.enqueue_indirect_dma source(%dma_start3A_173 : memref<10000x80xi32, #tpu.memory_space<hbm>>) target(%arg14 : memref<80x80xi32, #tpu.memory_space<vmem>>) offsets(%dma_start3A_170 : memref<80xi32, #tpu.memory_space<vmem>>) semaphore(%arg23 : memref<!tpu.dma_semaphore, #tpu.memory_space<semaphore_mem>>)
      } else {
      }
      %dma_wait3A_146 = arith.constant 0 : i32
      %dma_wait3A_147 = tpu.memref_slice %arg6[%dma_wait3A_146] : memref<10000xi32, #tpu.memory_space<vmem>> -> memref<80xi32, #tpu.memory_space<vmem>>
      %dma_wait3A_148 = arith.constant 0 : i32
      %dma_wait3A_149 = arith.constant 0 : i32
      %dma_wait3A_150 = tpu.memref_slice %arg2[%dma_wait3A_148, %dma_wait3A_149] : memref<10000x80xi32, #tpu.memory_space<hbm>> -> memref<10000x80xi32, #tpu.memory_space<hbm>>
      tpu.wait_indirect_dma semaphore(%arg20 : memref<!tpu.dma_semaphore, #tpu.memory_space<semaphore_mem>>) src(%dma_wait3A_150 : memref<10000x80xi32, #tpu.memory_space<hbm>>) dst(%arg11 : memref<80x80xi32, #tpu.memory_space<vmem>>)
      %dma_wait3A_151 = arith.constant 0 : i32
      %dma_wait3A_152 = tpu.memref_slice %arg7[%dma_wait3A_151] : memref<10000xi32, #tpu.memory_space<vmem>> -> memref<80xi32, #tpu.memory_space<vmem>>
      %dma_wait3A_153 = arith.constant 0 : i32
      %dma_wait3A_154 = arith.constant 0 : i32
      %dma_wait3A_155 = tpu.memref_slice %arg2[%dma_wait3A_153, %dma_wait3A_154] : memref<10000x80xi32, #tpu.memory_space<hbm>> -> memref<10000x80xi32, #tpu.memory_space<hbm>>
      tpu.wait_indirect_dma semaphore(%arg24 : memref<!tpu.dma_semaphore, #tpu.memory_space<semaphore_mem>>) src(%dma_wait3A_155 : memref<10000x80xi32, #tpu.memory_space<hbm>>) dst(%arg15 : memref<80x80xi32, #tpu.memory_space<vmem>>)
      %add3A_156 = arith.constant 3 : i32
      %add3A_157 = arith.addi %add3A_54, %add3A_156 : i32
      %scan3A_158 = arith.constant 0 : i32
      %scan3A_159 = arith.constant 5 : i32
      %scan3A_160 = arith.addi %scan3A_158, %scan3A_159 : i32
      %scan3A_161 = arith.constant 1 : i32
      scf.for %scan3A_163 = %scan3A_158 to %scan3A_160 step %scan3A_161  : i32 {
        %mul3A_164 = arith.constant 1 : i32
        %mul3A_165 = arith.muli %scan3A_163, %mul3A_164 : i32
        %add3A_166 = arith.constant 0 : i32
        %add3A_167 = arith.addi %add3A_166, %mul3A_165 : i32
        %mul3A_168 = arith.constant 16 : i32
        %mul3A_169 = arith.muli %add3A_167, %mul3A_168 : i32
        %add3A_170 = vector.broadcast %mul3A_169 : i32 to vector<16xi32>
        %add3A_171 = arith.addi %add3A_170, %iota3A : vector<16xi32>
        %broadcast_in_dim3A = arith.constant 0.000000e+00 : f32
        %broadcast_in_dim3A_172 = vector.broadcast %broadcast_in_dim3A : f32 to vector<16xf32>
        %broadcast_in_dim3A_173 = arith.constant 0.000000e+00 : f32
        %broadcast_in_dim3A_174 = vector.broadcast %broadcast_in_dim3A_173 : f32 to vector<16xf32>
        %broadcast_in_dim3A_175 = arith.constant 0.000000e+00 : f32
        %broadcast_in_dim3A_176 = vector.broadcast %broadcast_in_dim3A_175 : f32 to vector<16xf32>
        %broadcast_in_dim3A_177 = arith.constant 0.000000e+00 : f32
        %broadcast_in_dim3A_178 = vector.broadcast %broadcast_in_dim3A_177 : f32 to vector<16xf32>
        %broadcast_in_dim3A_179 = arith.constant 0.000000e+00 : f32
        %broadcast_in_dim3A_180 = vector.broadcast %broadcast_in_dim3A_179 : f32 to vector<16xf32>
        %broadcast_in_dim3A_181 = arith.constant 0.000000e+00 : f32
        %broadcast_in_dim3A_182 = vector.broadcast %broadcast_in_dim3A_181 : f32 to vector<16xf32>
        %broadcast_in_dim3A_183 = arith.constant 0.000000e+00 : f32
        %broadcast_in_dim3A_184 = vector.broadcast %broadcast_in_dim3A_183 : f32 to vector<16xf32>
        %broadcast_in_dim3A_185 = arith.constant 0.000000e+00 : f32
        %broadcast_in_dim3A_186 = vector.broadcast %broadcast_in_dim3A_185 : f32 to vector<16xf32>
        %scan3A_187 = arith.constant 0 : i32
        %scan3A_188 = arith.constant 64 : i32
        %scan3A_189 = arith.addi %scan3A_187, %scan3A_188 : i32
        %scan3A_190 = arith.constant 8 : i32
        %scan3A_191:9 = scf.for %scan3A_207 = %scan3A_187 to %scan3A_189 step %scan3A_190 iter_args(%scan3A_208 = %iota3A, %scan3A_209 = %broadcast_in_dim3A_172, %scan3A_210 = %broadcast_in_dim3A_174, %scan3A_211 = %broadcast_in_dim3A_176, %scan3A_212 = %broadcast_in_dim3A_178, %scan3A_213 = %broadcast_in_dim3A_180, %scan3A_214 = %broadcast_in_dim3A_182, %scan3A_215 = %broadcast_in_dim3A_184, %scan3A_216 = %broadcast_in_dim3A_186) -> (vector<16xi32>, vector<16xf32>, vector<16xf32>, vector<16xf32>, vector<16xf32>, vector<16xf32>, vector<16xf32>, vector<16xf32>, vector<16xf32>)  : i32 {
          %mul3A_217 = arith.constant 1 : i32
          %mul3A_218 = arith.muli %scan3A_207, %mul3A_217 : i32
          %add3A_219 = arith.constant 0 : i32
          %add3A_220 = arith.addi %add3A_219, %mul3A_218 : i32
          %gather3A = tpu.vector_load_idx %arg11[%add3A_171, %scan3A_208] : memref<80x80xi32, #tpu.memory_space<vmem>>[vector<16xi32>, vector<16xi32>], vector<16xi32>,
          %gather3A_221 = tpu.vector_load_idx %arg15[%add3A_171, %scan3A_208] : memref<80x80xi32, #tpu.memory_space<vmem>>[vector<16xi32>, vector<16xi32>], vector<16xi32>,
          %bitcast3A = vector.bitcast %gather3A : vector<16xi32> to vector<32xbf16>
          %bitcast3A_222 = vector.bitcast %gather3A_221 : vector<16xi32> to vector<32xbf16>
          %mul3A_223 = arith.mulf %bitcast3A, %bitcast3A_222 : vector<32xbf16>
          %unpack3A = tpu.unpack_subelements %mul3A_223, 0 {pack_format = #tpu.pack_format<interleaved>} : vector<32xbf16> -> vector<16xf32>
          %unpack3A_224 = tpu.unpack_subelements %mul3A_223, 1 {pack_format = #tpu.pack_format<interleaved>} : vector<32xbf16> -> vector<16xf32>
          %add3A_225 = arith.constant 1 : i32
          %add3A_226 = vector.broadcast %add3A_225 : i32 to vector<16xi32>
          %add3A_227 = arith.addi %scan3A_208, %add3A_226 : vector<16xi32>
          %add3A_228 = arith.addf %scan3A_209, %unpack3A : vector<16xf32>
          %add3A_229 = arith.addf %scan3A_210, %unpack3A_224 : vector<16xf32>
          %scan3A_230 = arith.constant 1 : i32
          %scan3A_231 = arith.addi %scan3A_207, %scan3A_230 : i32
          %mul3A_232 = arith.constant 1 : i32
          %mul3A_233 = arith.muli %scan3A_231, %mul3A_232 : i32
          %add3A_234 = arith.constant 0 : i32
          %add3A_235 = arith.addi %add3A_234, %mul3A_233 : i32
          %gather3A_236 = tpu.vector_load_idx %arg11[%add3A_171, %add3A_227] : memref<80x80xi32, #tpu.memory_space<vmem>>[vector<16xi32>, vector<16xi32>], vector<16xi32>,
          %gather3A_237 = tpu.vector_load_idx %arg15[%add3A_171, %add3A_227] : memref<80x80xi32, #tpu.memory_space<vmem>>[vector<16xi32>, vector<16xi32>], vector<16xi32>,
          %bitcast3A_238 = vector.bitcast %gather3A_236 : vector<16xi32> to vector<32xbf16>
          %bitcast3A_239 = vector.bitcast %gather3A_237 : vector<16xi32> to vector<32xbf16>
          %mul3A_240 = arith.mulf %bitcast3A_238, %bitcast3A_239 : vector<32xbf16>
          %unpack3A_241 = tpu.unpack_subelements %mul3A_240, 0 {pack_format = #tpu.pack_format<interleaved>} : vector<32xbf16> -> vector<16xf32>
          %unpack3A_242 = tpu.unpack_subelements %mul3A_240, 1 {pack_format = #tpu.pack_format<interleaved>} : vector<32xbf16> -> vector<16xf32>
          %add3A_243 = arith.constant 1 : i32
          %add3A_244 = vector.broadcast %add3A_243 : i32 to vector<16xi32>
          %add3A_245 = arith.addi %add3A_227, %add3A_244 : vector<16xi32>
          %add3A_246 = arith.addf %scan3A_211, %unpack3A_241 : vector<16xf32>
          %add3A_247 = arith.addf %scan3A_212, %unpack3A_242 : vector<16xf32>
          %scan3A_248 = arith.constant 2 : i32
          %scan3A_249 = arith.addi %scan3A_207, %scan3A_248 : i32
          %mul3A_250 = arith.constant 1 : i32
          %mul3A_251 = arith.muli %scan3A_249, %mul3A_250 : i32
          %add3A_252 = arith.constant 0 : i32
          %add3A_253 = arith.addi %add3A_252, %mul3A_251 : i32
          %gather3A_254 = tpu.vector_load_idx %arg11[%add3A_171, %add3A_245] : memref<80x80xi32, #tpu.memory_space<vmem>>[vector<16xi32>, vector<16xi32>], vector<16xi32>,
          %gather3A_255 = tpu.vector_load_idx %arg15[%add3A_171, %add3A_245] : memref<80x80xi32, #tpu.memory_space<vmem>>[vector<16xi32>, vector<16xi32>], vector<16xi32>,
          %bitcast3A_256 = vector.bitcast %gather3A_254 : vector<16xi32> to vector<32xbf16>
          %bitcast3A_257 = vector.bitcast %gather3A_255 : vector<16xi32> to vector<32xbf16>
          %mul3A_258 = arith.mulf %bitcast3A_256, %bitcast3A_257 : vector<32xbf16>
          %unpack3A_259 = tpu.unpack_subelements %mul3A_258, 0 {pack_format = #tpu.pack_format<interleaved>} : vector<32xbf16> -> vector<16xf32>
          %unpack3A_260 = tpu.unpack_subelements %mul3A_258, 1 {pack_format = #tpu.pack_format<interleaved>} : vector<32xbf16> -> vector<16xf32>
          %add3A_261 = arith.constant 1 : i32
          %add3A_262 = vector.broadcast %add3A_261 : i32 to vector<16xi32>
          %add3A_263 = arith.addi %add3A_245, %add3A_262 : vector<16xi32>
          %add3A_264 = arith.addf %scan3A_213, %unpack3A_259 : vector<16xf32>
          %add3A_265 = arith.addf %scan3A_214, %unpack3A_260 : vector<16xf32>
          %scan3A_266 = arith.constant 3 : i32
          %scan3A_267 = arith.addi %scan3A_207, %scan3A_266 : i32
          %mul3A_268 = arith.constant 1 : i32
          %mul3A_269 = arith.muli %scan3A_267, %mul3A_268 : i32
          %add3A_270 = arith.constant 0 : i32
          %add3A_271 = arith.addi %add3A_270, %mul3A_269 : i32
          %gather3A_272 = tpu.vector_load_idx %arg11[%add3A_171, %add3A_263] : memref<80x80xi32, #tpu.memory_space<vmem>>[vector<16xi32>, vector<16xi32>], vector<16xi32>,
          %gather3A_273 = tpu.vector_load_idx %arg15[%add3A_171, %add3A_263] : memref<80x80xi32, #tpu.memory_space<vmem>>[vector<16xi32>, vector<16xi32>], vector<16xi32>,
          %bitcast3A_274 = vector.bitcast %gather3A_272 : vector<16xi32> to vector<32xbf16>
          %bitcast3A_275 = vector.bitcast %gather3A_273 : vector<16xi32> to vector<32xbf16>
          %mul3A_276 = arith.mulf %bitcast3A_274, %bitcast3A_275 : vector<32xbf16>
          %unpack3A_277 = tpu.unpack_subelements %mul3A_276, 0 {pack_format = #tpu.pack_format<interleaved>} : vector<32xbf16> -> vector<16xf32>
          %unpack3A_278 = tpu.unpack_subelements %mul3A_276, 1 {pack_format = #tpu.pack_format<interleaved>} : vector<32xbf16> -> vector<16xf32>
          %add3A_279 = arith.constant 1 : i32
          %add3A_280 = vector.broadcast %add3A_279 : i32 to vector<16xi32>
          %add3A_281 = arith.addi %add3A_263, %add3A_280 : vector<16xi32>
          %add3A_282 = arith.addf %scan3A_215, %unpack3A_277 : vector<16xf32>
          %add3A_283 = arith.addf %scan3A_216, %unpack3A_278 : vector<16xf32>
          %scan3A_284 = arith.constant 4 : i32
          %scan3A_285 = arith.addi %scan3A_207, %scan3A_284 : i32
          %mul3A_286 = arith.constant 1 : i32
          %mul3A_287 = arith.muli %scan3A_285, %mul3A_286 : i32
          %add3A_288 = arith.constant 0 : i32
          %add3A_289 = arith.addi %add3A_288, %mul3A_287 : i32
          %gather3A_290 = tpu.vector_load_idx %arg11[%add3A_171, %add3A_281] : memref<80x80xi32, #tpu.memory_space<vmem>>[vector<16xi32>, vector<16xi32>], vector<16xi32>,
          %gather3A_291 = tpu.vector_load_idx %arg15[%add3A_171, %add3A_281] : memref<80x80xi32, #tpu.memory_space<vmem>>[vector<16xi32>, vector<16xi32>], vector<16xi32>,
          %bitcast3A_292 = vector.bitcast %gather3A_290 : vector<16xi32> to vector<32xbf16>
          %bitcast3A_293 = vector.bitcast %gather3A_291 : vector<16xi32> to vector<32xbf16>
          %mul3A_294 = arith.mulf %bitcast3A_292, %bitcast3A_293 : vector<32xbf16>
          %unpack3A_295 = tpu.unpack_subelements %mul3A_294, 0 {pack_format = #tpu.pack_format<interleaved>} : vector<32xbf16> -> vector<16xf32>
          %unpack3A_296 = tpu.unpack_subelements %mul3A_294, 1 {pack_format = #tpu.pack_format<interleaved>} : vector<32xbf16> -> vector<16xf32>
          %add3A_297 = arith.constant 1 : i32
          %add3A_298 = vector.broadcast %add3A_297 : i32 to vector<16xi32>
          %add3A_299 = arith.addi %add3A_281, %add3A_298 : vector<16xi32>
          %add3A_300 = arith.addf %add3A_228, %unpack3A_295 : vector<16xf32>
          %add3A_301 = arith.addf %add3A_229, %unpack3A_296 : vector<16xf32>
          %scan3A_302 = arith.constant 5 : i32
          %scan3A_303 = arith.addi %scan3A_207, %scan3A_302 : i32
          %mul3A_304 = arith.constant 1 : i32
          %mul3A_305 = arith.muli %scan3A_303, %mul3A_304 : i32
          %add3A_306 = arith.constant 0 : i32
          %add3A_307 = arith.addi %add3A_306, %mul3A_305 : i32
          %gather3A_308 = tpu.vector_load_idx %arg11[%add3A_171, %add3A_299] : memref<80x80xi32, #tpu.memory_space<vmem>>[vector<16xi32>, vector<16xi32>], vector<16xi32>,
          %gather3A_309 = tpu.vector_load_idx %arg15[%add3A_171, %add3A_299] : memref<80x80xi32, #tpu.memory_space<vmem>>[vector<16xi32>, vector<16xi32>], vector<16xi32>,
          %bitcast3A_310 = vector.bitcast %gather3A_308 : vector<16xi32> to vector<32xbf16>
          %bitcast3A_311 = vector.bitcast %gather3A_309 : vector<16xi32> to vector<32xbf16>
          %mul3A_312 = arith.mulf %bitcast3A_310, %bitcast3A_311 : vector<32xbf16>
          %unpack3A_313 = tpu.unpack_subelements %mul3A_312, 0 {pack_format = #tpu.pack_format<interleaved>} : vector<32xbf16> -> vector<16xf32>
          %unpack3A_314 = tpu.unpack_subelements %mul3A_312, 1 {pack_format = #tpu.pack_format<interleaved>} : vector<32xbf16> -> vector<16xf32>
          %add3A_315 = arith.constant 1 : i32
          %add3A_316 = vector.broadcast %add3A_315 : i32 to vector<16xi32>
          %add3A_317 = arith.addi %add3A_299, %add3A_316 : vector<16xi32>
          %add3A_318 = arith.addf %add3A_246, %unpack3A_313 : vector<16xf32>
          %add3A_319 = arith.addf %add3A_247, %unpack3A_314 : vector<16xf32>
          %scan3A_320 = arith.constant 6 : i32
          %scan3A_321 = arith.addi %scan3A_207, %scan3A_320 : i32
          %mul3A_322 = arith.constant 1 : i32
          %mul3A_323 = arith.muli %scan3A_321, %mul3A_322 : i32
          %add3A_324 = arith.constant 0 : i32
          %add3A_325 = arith.addi %add3A_324, %mul3A_323 : i32
          %gather3A_326 = tpu.vector_load_idx %arg11[%add3A_171, %add3A_317] : memref<80x80xi32, #tpu.memory_space<vmem>>[vector<16xi32>, vector<16xi32>], vector<16xi32>,
          %gather3A_327 = tpu.vector_load_idx %arg15[%add3A_171, %add3A_317] : memref<80x80xi32, #tpu.memory_space<vmem>>[vector<16xi32>, vector<16xi32>], vector<16xi32>,
          %bitcast3A_328 = vector.bitcast %gather3A_326 : vector<16xi32> to vector<32xbf16>
          %bitcast3A_329 = vector.bitcast %gather3A_327 : vector<16xi32> to vector<32xbf16>
          %mul3A_330 = arith.mulf %bitcast3A_328, %bitcast3A_329 : vector<32xbf16>
          %unpack3A_331 = tpu.unpack_subelements %mul3A_330, 0 {pack_format = #tpu.pack_format<interleaved>} : vector<32xbf16> -> vector<16xf32>
          %unpack3A_332 = tpu.unpack_subelements %mul3A_330, 1 {pack_format = #tpu.pack_format<interleaved>} : vector<32xbf16> -> vector<16xf32>
          %add3A_333 = arith.constant 1 : i32
          %add3A_334 = vector.broadcast %add3A_333 : i32 to vector<16xi32>
          %add3A_335 = arith.addi %add3A_317, %add3A_334 : vector<16xi32>
          %add3A_336 = arith.addf %add3A_264, %unpack3A_331 : vector<16xf32>
          %add3A_337 = arith.addf %add3A_265, %unpack3A_332 : vector<16xf32>
          %scan3A_338 = arith.constant 7 : i32
          %scan3A_339 = arith.addi %scan3A_207, %scan3A_338 : i32
          %mul3A_340 = arith.constant 1 : i32
          %mul3A_341 = arith.muli %scan3A_339, %mul3A_340 : i32
          %add3A_342 = arith.constant 0 : i32
          %add3A_343 = arith.addi %add3A_342, %mul3A_341 : i32
          %gather3A_344 = tpu.vector_load_idx %arg11[%add3A_171, %add3A_335] : memref<80x80xi32, #tpu.memory_space<vmem>>[vector<16xi32>, vector<16xi32>], vector<16xi32>,
          %gather3A_345 = tpu.vector_load_idx %arg15[%add3A_171, %add3A_335] : memref<80x80xi32, #tpu.memory_space<vmem>>[vector<16xi32>, vector<16xi32>], vector<16xi32>,
          %bitcast3A_346 = vector.bitcast %gather3A_344 : vector<16xi32> to vector<32xbf16>
          %bitcast3A_347 = vector.bitcast %gather3A_345 : vector<16xi32> to vector<32xbf16>
          %mul3A_348 = arith.mulf %bitcast3A_346, %bitcast3A_347 : vector<32xbf16>
          %unpack3A_349 = tpu.unpack_subelements %mul3A_348, 0 {pack_format = #tpu.pack_format<interleaved>} : vector<32xbf16> -> vector<16xf32>
          %unpack3A_350 = tpu.unpack_subelements %mul3A_348, 1 {pack_format = #tpu.pack_format<interleaved>} : vector<32xbf16> -> vector<16xf32>
          %add3A_351 = arith.constant 1 : i32
          %add3A_352 = vector.broadcast %add3A_351 : i32 to vector<16xi32>
          %add3A_353 = arith.addi %add3A_335, %add3A_352 : vector<16xi32>
          %add3A_354 = arith.addf %add3A_282, %unpack3A_349 : vector<16xf32>
          %add3A_355 = arith.addf %add3A_283, %unpack3A_350 : vector<16xf32>
          scf.yield %add3A_353, %add3A_300, %add3A_301, %add3A_318, %add3A_319, %add3A_336, %add3A_337, %add3A_354, %add3A_355 : vector<16xi32>, vector<16xf32>, vector<16xf32>, vector<16xf32>, vector<16xf32>, vector<16xf32>, vector<16xf32>, vector<16xf32>, vector<16xf32>
        }
        %scan3A_192 = arith.constant 64 : i32
        %add3A_193 = arith.addf %scan3A_191#1, %scan3A_191#2 : vector<16xf32>
        %add3A_194 = arith.addf %scan3A_191#3, %scan3A_191#4 : vector<16xf32>
        %add3A_195 = arith.addf %add3A_193, %add3A_194 : vector<16xf32>
        %add3A_196 = arith.addf %scan3A_191#5, %scan3A_191#6 : vector<16xf32>
        %add3A_197 = arith.addf %scan3A_191#7, %scan3A_191#8 : vector<16xf32>
        %add3A_198 = arith.addf %add3A_196, %add3A_197 : vector<16xf32>
        %add3A_199 = arith.addf %add3A_195, %add3A_198 : vector<16xf32>
        %mul3A_200 = arith.constant 80 : i32
        %mul3A_201 = arith.muli %add3A_157, %mul3A_200 : i32
        %mul3A_202 = arith.constant 16 : i32
        %mul3A_203 = arith.muli %add3A_167, %mul3A_202 : i32
        %add3A_204 = arith.addi %mul3A_201, %mul3A_203 : i32
        %multiple_of3A_205 = tpu.assume_multiple %add3A_204, 8 : i32
        %swap3A = arith.index_cast %multiple_of3A_205 : i32 to index
        %swap3A_206 = tpu.vector_load %arg16[%swap3A] {strides = array<i32>} : memref<10000xf32, #tpu.memory_space<vmem>>, vector<16xf32>,
        tpu.vector_store %arg16[%swap3A], %add3A_199 {strides = array<i32>} : memref<10000xf32, #tpu.memory_space<vmem>>, vector<16xf32>,
      }
      %scan3A_162 = arith.constant 5 : i32
    }
    %scan3A_35 = arith.constant 31 : i32
    %dma_wait3A = arith.constant 0 : i32
    %dma_wait3A_36 = tpu.memref_slice %arg6[%dma_wait3A] : memref<10000xi32, #tpu.memory_space<vmem>> -> memref<80xi32, #tpu.memory_space<vmem>>
    %dma_wait3A_37 = arith.constant 0 : i32
    %dma_wait3A_38 = arith.constant 0 : i32
    %dma_wait3A_39 = tpu.memref_slice %arg2[%dma_wait3A_37, %dma_wait3A_38] : memref<10000x80xi32, #tpu.memory_space<hbm>> -> memref<10000x80xi32, #tpu.memory_space<hbm>>
    tpu.wait_indirect_dma semaphore(%arg17 : memref<!tpu.dma_semaphore, #tpu.memory_space<semaphore_mem>>) src(%dma_wait3A_39 : memref<10000x80xi32, #tpu.memory_space<hbm>>) dst(%arg8 : memref<80x80xi32, #tpu.memory_space<vmem>>)
    %dma_wait3A_40 = arith.constant 0 : i32
    %dma_wait3A_41 = tpu.memref_slice %arg7[%dma_wait3A_40] : memref<10000xi32, #tpu.memory_space<vmem>> -> memref<80xi32, #tpu.memory_space<vmem>>
    %dma_wait3A_42 = arith.constant 0 : i32
    %dma_wait3A_43 = arith.constant 0 : i32
    %dma_wait3A_44 = tpu.memref_slice %arg2[%dma_wait3A_42, %dma_wait3A_43] : memref<10000x80xi32, #tpu.memory_space<hbm>> -> memref<10000x80xi32, #tpu.memory_space<hbm>>
    tpu.wait_indirect_dma semaphore(%arg21 : memref<!tpu.dma_semaphore, #tpu.memory_space<semaphore_mem>>) src(%dma_wait3A_44 : memref<10000x80xi32, #tpu.memory_space<hbm>>) dst(%arg12 : memref<80x80xi32, #tpu.memory_space<vmem>>)
    %scan3A_45 = arith.constant 0 : i32
    %scan3A_46 = arith.constant 5 : i32
    %scan3A_47 = arith.addi %scan3A_45, %scan3A_46 : i32
    %scan3A_48 = arith.constant 1 : i32
    scf.for %scan3A_50 = %scan3A_45 to %scan3A_47 step %scan3A_48  : i32 {
      %mul3A_51 = arith.constant 1 : i32
      %mul3A_52 = arith.muli %scan3A_50, %mul3A_51 : i32
      %add3A_53 = arith.constant 0 : i32
      %add3A_54 = arith.addi %add3A_53, %mul3A_52 : i32
      %mul3A_55 = arith.constant 16 : i32
      %mul3A_56 = arith.muli %add3A_54, %mul3A_55 : i32
      %add3A_57 = vector.broadcast %mul3A_56 : i32 to vector<16xi32>
      %add3A_58 = arith.addi %add3A_57, %iota3A : vector<16xi32>
      %broadcast_in_dim3A = arith.constant 0.000000e+00 : f32
      %broadcast_in_dim3A_59 = vector.broadcast %broadcast_in_dim3A : f32 to vector<16xf32>
      %broadcast_in_dim3A_60 = arith.constant 0.000000e+00 : f32
      %broadcast_in_dim3A_61 = vector.broadcast %broadcast_in_dim3A_60 : f32 to vector<16xf32>
      %broadcast_in_dim3A_62 = arith.constant 0.000000e+00 : f32
      %broadcast_in_dim3A_63 = vector.broadcast %broadcast_in_dim3A_62 : f32 to vector<16xf32>
      %broadcast_in_dim3A_64 = arith.constant 0.000000e+00 : f32
      %broadcast_in_dim3A_65 = vector.broadcast %broadcast_in_dim3A_64 : f32 to vector<16xf32>
      %broadcast_in_dim3A_66 = arith.constant 0.000000e+00 : f32
      %broadcast_in_dim3A_67 = vector.broadcast %broadcast_in_dim3A_66 : f32 to vector<16xf32>
      %broadcast_in_dim3A_68 = arith.constant 0.000000e+00 : f32
      %broadcast_in_dim3A_69 = vector.broadcast %broadcast_in_dim3A_68 : f32 to vector<16xf32>
      %broadcast_in_dim3A_70 = arith.constant 0.000000e+00 : f32
      %broadcast_in_dim3A_71 = vector.broadcast %broadcast_in_dim3A_70 : f32 to vector<16xf32>
      %broadcast_in_dim3A_72 = arith.constant 0.000000e+00 : f32
      %broadcast_in_dim3A_73 = vector.broadcast %broadcast_in_dim3A_72 : f32 to vector<16xf32>
      %scan3A_74 = arith.constant 0 : i32
      %scan3A_75 = arith.constant 64 : i32
      %scan3A_76 = arith.addi %scan3A_74, %scan3A_75 : i32
      %scan3A_77 = arith.constant 8 : i32
      %scan3A_78:9 = scf.for %scan3A_93 = %scan3A_74 to %scan3A_76 step %scan3A_77 iter_args(%scan3A_94 = %iota3A, %scan3A_95 = %broadcast_in_dim3A_59, %scan3A_96 = %broadcast_in_dim3A_61, %scan3A_97 = %broadcast_in_dim3A_63, %scan3A_98 = %broadcast_in_dim3A_65, %scan3A_99 = %broadcast_in_dim3A_67, %scan3A_100 = %broadcast_in_dim3A_69, %scan3A_101 = %broadcast_in_dim3A_71, %scan3A_102 = %broadcast_in_dim3A_73) -> (vector<16xi32>, vector<16xf32>, vector<16xf32>, vector<16xf32>, vector<16xf32>, vector<16xf32>, vector<16xf32>, vector<16xf32>, vector<16xf32>)  : i32 {
        %mul3A_103 = arith.constant 1 : i32
        %mul3A_104 = arith.muli %scan3A_93, %mul3A_103 : i32
        %add3A_105 = arith.constant 0 : i32
        %add3A_106 = arith.addi %add3A_105, %mul3A_104 : i32
        %gather3A = tpu.vector_load_idx %arg8[%add3A_58, %scan3A_94] : memref<80x80xi32, #tpu.memory_space<vmem>>[vector<16xi32>, vector<16xi32>], vector<16xi32>,
        %gather3A_107 = tpu.vector_load_idx %arg12[%add3A_58, %scan3A_94] : memref<80x80xi32, #tpu.memory_space<vmem>>[vector<16xi32>, vector<16xi32>], vector<16xi32>,
        %bitcast3A = vector.bitcast %gather3A : vector<16xi32> to vector<32xbf16>
        %bitcast3A_108 = vector.bitcast %gather3A_107 : vector<16xi32> to vector<32xbf16>
        %mul3A_109 = arith.mulf %bitcast3A, %bitcast3A_108 : vector<32xbf16>
        %unpack3A = tpu.unpack_subelements %mul3A_109, 0 {pack_format = #tpu.pack_format<interleaved>} : vector<32xbf16> -> vector<16xf32>
        %unpack3A_110 = tpu.unpack_subelements %mul3A_109, 1 {pack_format = #tpu.pack_format<interleaved>} : vector<32xbf16> -> vector<16xf32>
        %add3A_111 = arith.constant 1 : i32
        %add3A_112 = vector.broadcast %add3A_111 : i32 to vector<16xi32>
        %add3A_113 = arith.addi %scan3A_94, %add3A_112 : vector<16xi32>
        %add3A_114 = arith.addf %scan3A_95, %unpack3A : vector<16xf32>
        %add3A_115 = arith.addf %scan3A_96, %unpack3A_110 : vector<16xf32>
        %scan3A_116 = arith.constant 1 : i32
        %scan3A_117 = arith.addi %scan3A_93, %scan3A_116 : i32
        %mul3A_118 = arith.constant 1 : i32
        %mul3A_119 = arith.muli %scan3A_117, %mul3A_118 : i32
        %add3A_120 = arith.constant 0 : i32
        %add3A_121 = arith.addi %add3A_120, %mul3A_119 : i32
        %gather3A_122 = tpu.vector_load_idx %arg8[%add3A_58, %add3A_113] : memref<80x80xi32, #tpu.memory_space<vmem>>[vector<16xi32>, vector<16xi32>], vector<16xi32>,
        %gather3A_123 = tpu.vector_load_idx %arg12[%add3A_58, %add3A_113] : memref<80x80xi32, #tpu.memory_space<vmem>>[vector<16xi32>, vector<16xi32>], vector<16xi32>,
        %bitcast3A_124 = vector.bitcast %gather3A_122 : vector<16xi32> to vector<32xbf16>
        %bitcast3A_125 = vector.bitcast %gather3A_123 : vector<16xi32> to vector<32xbf16>
        %mul3A_126 = arith.mulf %bitcast3A_124, %bitcast3A_125 : vector<32xbf16>
        %unpack3A_127 = tpu.unpack_subelements %mul3A_126, 0 {pack_format = #tpu.pack_format<interleaved>} : vector<32xbf16> -> vector<16xf32>
        %unpack3A_128 = tpu.unpack_subelements %mul3A_126, 1 {pack_format = #tpu.pack_format<interleaved>} : vector<32xbf16> -> vector<16xf32>
        %add3A_129 = arith.constant 1 : i32
        %add3A_130 = vector.broadcast %add3A_129 : i32 to vector<16xi32>
        %add3A_131 = arith.addi %add3A_113, %add3A_130 : vector<16xi32>
        %add3A_132 = arith.addf %scan3A_97, %unpack3A_127 : vector<16xf32>
        %add3A_133 = arith.addf %scan3A_98, %unpack3A_128 : vector<16xf32>
        %scan3A_134 = arith.constant 2 : i32
        %scan3A_135 = arith.addi %scan3A_93, %scan3A_134 : i32
        %mul3A_136 = arith.constant 1 : i32
        %mul3A_137 = arith.muli %scan3A_135, %mul3A_136 : i32
        %add3A_138 = arith.constant 0 : i32
        %add3A_139 = arith.addi %add3A_138, %mul3A_137 : i32
        %gather3A_140 = tpu.vector_load_idx %arg8[%add3A_58, %add3A_131] : memref<80x80xi32, #tpu.memory_space<vmem>>[vector<16xi32>, vector<16xi32>], vector<16xi32>,
        %gather3A_141 = tpu.vector_load_idx %arg12[%add3A_58, %add3A_131] : memref<80x80xi32, #tpu.memory_space<vmem>>[vector<16xi32>, vector<16xi32>], vector<16xi32>,
        %bitcast3A_142 = vector.bitcast %gather3A_140 : vector<16xi32> to vector<32xbf16>
        %bitcast3A_143 = vector.bitcast %gather3A_141 : vector<16xi32> to vector<32xbf16>
        %mul3A_144 = arith.mulf %bitcast3A_142, %bitcast3A_143 : vector<32xbf16>
        %unpack3A_145 = tpu.unpack_subelements %mul3A_144, 0 {pack_format = #tpu.pack_format<interleaved>} : vector<32xbf16> -> vector<16xf32>
        %unpack3A_146 = tpu.unpack_subelements %mul3A_144, 1 {pack_format = #tpu.pack_format<interleaved>} : vector<32xbf16> -> vector<16xf32>
        %add3A_147 = arith.constant 1 : i32
        %add3A_148 = vector.broadcast %add3A_147 : i32 to vector<16xi32>
        %add3A_149 = arith.addi %add3A_131, %add3A_148 : vector<16xi32>
        %add3A_150 = arith.addf %scan3A_99, %unpack3A_145 : vector<16xf32>
        %add3A_151 = arith.addf %scan3A_100, %unpack3A_146 : vector<16xf32>
        %scan3A_152 = arith.constant 3 : i32
        %scan3A_153 = arith.addi %scan3A_93, %scan3A_152 : i32
        %mul3A_154 = arith.constant 1 : i32
        %mul3A_155 = arith.muli %scan3A_153, %mul3A_154 : i32
        %add3A_156 = arith.constant 0 : i32
        %add3A_157 = arith.addi %add3A_156, %mul3A_155 : i32
        %gather3A_158 = tpu.vector_load_idx %arg8[%add3A_58, %add3A_149] : memref<80x80xi32, #tpu.memory_space<vmem>>[vector<16xi32>, vector<16xi32>], vector<16xi32>,
        %gather3A_159 = tpu.vector_load_idx %arg12[%add3A_58, %add3A_149] : memref<80x80xi32, #tpu.memory_space<vmem>>[vector<16xi32>, vector<16xi32>], vector<16xi32>,
        %bitcast3A_160 = vector.bitcast %gather3A_158 : vector<16xi32> to vector<32xbf16>
        %bitcast3A_161 = vector.bitcast %gather3A_159 : vector<16xi32> to vector<32xbf16>
        %mul3A_162 = arith.mulf %bitcast3A_160, %bitcast3A_161 : vector<32xbf16>
        %unpack3A_163 = tpu.unpack_subelements %mul3A_162, 0 {pack_format = #tpu.pack_format<interleaved>} : vector<32xbf16> -> vector<16xf32>
        %unpack3A_164 = tpu.unpack_subelements %mul3A_162, 1 {pack_format = #tpu.pack_format<interleaved>} : vector<32xbf16> -> vector<16xf32>
        %add3A_165 = arith.constant 1 : i32
        %add3A_166 = vector.broadcast %add3A_165 : i32 to vector<16xi32>
        %add3A_167 = arith.addi %add3A_149, %add3A_166 : vector<16xi32>
        %add3A_168 = arith.addf %scan3A_101, %unpack3A_163 : vector<16xf32>
        %add3A_169 = arith.addf %scan3A_102, %unpack3A_164 : vector<16xf32>
        %scan3A_170 = arith.constant 4 : i32
        %scan3A_171 = arith.addi %scan3A_93, %scan3A_170 : i32
        %mul3A_172 = arith.constant 1 : i32
        %mul3A_173 = arith.muli %scan3A_171, %mul3A_172 : i32
        %add3A_174 = arith.constant 0 : i32
        %add3A_175 = arith.addi %add3A_174, %mul3A_173 : i32
        %gather3A_176 = tpu.vector_load_idx %arg8[%add3A_58, %add3A_167] : memref<80x80xi32, #tpu.memory_space<vmem>>[vector<16xi32>, vector<16xi32>], vector<16xi32>,
        %gather3A_177 = tpu.vector_load_idx %arg12[%add3A_58, %add3A_167] : memref<80x80xi32, #tpu.memory_space<vmem>>[vector<16xi32>, vector<16xi32>], vector<16xi32>,
        %bitcast3A_178 = vector.bitcast %gather3A_176 : vector<16xi32> to vector<32xbf16>
        %bitcast3A_179 = vector.bitcast %gather3A_177 : vector<16xi32> to vector<32xbf16>
        %mul3A_180 = arith.mulf %bitcast3A_178, %bitcast3A_179 : vector<32xbf16>
        %unpack3A_181 = tpu.unpack_subelements %mul3A_180, 0 {pack_format = #tpu.pack_format<interleaved>} : vector<32xbf16> -> vector<16xf32>
        %unpack3A_182 = tpu.unpack_subelements %mul3A_180, 1 {pack_format = #tpu.pack_format<interleaved>} : vector<32xbf16> -> vector<16xf32>
        %add3A_183 = arith.constant 1 : i32
        %add3A_184 = vector.broadcast %add3A_183 : i32 to vector<16xi32>
        %add3A_185 = arith.addi %add3A_167, %add3A_184 : vector<16xi32>
        %add3A_186 = arith.addf %add3A_114, %unpack3A_181 : vector<16xf32>
        %add3A_187 = arith.addf %add3A_115, %unpack3A_182 : vector<16xf32>
        %scan3A_188 = arith.constant 5 : i32
        %scan3A_189 = arith.addi %scan3A_93, %scan3A_188 : i32
        %mul3A_190 = arith.constant 1 : i32
        %mul3A_191 = arith.muli %scan3A_189, %mul3A_190 : i32
        %add3A_192 = arith.constant 0 : i32
        %add3A_193 = arith.addi %add3A_192, %mul3A_191 : i32
        %gather3A_194 = tpu.vector_load_idx %arg8[%add3A_58, %add3A_185] : memref<80x80xi32, #tpu.memory_space<vmem>>[vector<16xi32>, vector<16xi32>], vector<16xi32>,
        %gather3A_195 = tpu.vector_load_idx %arg12[%add3A_58, %add3A_185] : memref<80x80xi32, #tpu.memory_space<vmem>>[vector<16xi32>, vector<16xi32>], vector<16xi32>,
        %bitcast3A_196 = vector.bitcast %gather3A_194 : vector<16xi32> to vector<32xbf16>
        %bitcast3A_197 = vector.bitcast %gather3A_195 : vector<16xi32> to vector<32xbf16>
        %mul3A_198 = arith.mulf %bitcast3A_196, %bitcast3A_197 : vector<32xbf16>
        %unpack3A_199 = tpu.unpack_subelements %mul3A_198, 0 {pack_format = #tpu.pack_format<interleaved>} : vector<32xbf16> -> vector<16xf32>
        %unpack3A_200 = tpu.unpack_subelements %mul3A_198, 1 {pack_format = #tpu.pack_format<interleaved>} : vector<32xbf16> -> vector<16xf32>
        %add3A_201 = arith.constant 1 : i32
        %add3A_202 = vector.broadcast %add3A_201 : i32 to vector<16xi32>
        %add3A_203 = arith.addi %add3A_185, %add3A_202 : vector<16xi32>
        %add3A_204 = arith.addf %add3A_132, %unpack3A_199 : vector<16xf32>
        %add3A_205 = arith.addf %add3A_133, %unpack3A_200 : vector<16xf32>
        %scan3A_206 = arith.constant 6 : i32
        %scan3A_207 = arith.addi %scan3A_93, %scan3A_206 : i32
        %mul3A_208 = arith.constant 1 : i32
        %mul3A_209 = arith.muli %scan3A_207, %mul3A_208 : i32
        %add3A_210 = arith.constant 0 : i32
        %add3A_211 = arith.addi %add3A_210, %mul3A_209 : i32
        %gather3A_212 = tpu.vector_load_idx %arg8[%add3A_58, %add3A_203] : memref<80x80xi32, #tpu.memory_space<vmem>>[vector<16xi32>, vector<16xi32>], vector<16xi32>,
        %gather3A_213 = tpu.vector_load_idx %arg12[%add3A_58, %add3A_203] : memref<80x80xi32, #tpu.memory_space<vmem>>[vector<16xi32>, vector<16xi32>], vector<16xi32>,
        %bitcast3A_214 = vector.bitcast %gather3A_212 : vector<16xi32> to vector<32xbf16>
        %bitcast3A_215 = vector.bitcast %gather3A_213 : vector<16xi32> to vector<32xbf16>
        %mul3A_216 = arith.mulf %bitcast3A_214, %bitcast3A_215 : vector<32xbf16>
        %unpack3A_217 = tpu.unpack_subelements %mul3A_216, 0 {pack_format = #tpu.pack_format<interleaved>} : vector<32xbf16> -> vector<16xf32>
        %unpack3A_218 = tpu.unpack_subelements %mul3A_216, 1 {pack_format = #tpu.pack_format<interleaved>} : vector<32xbf16> -> vector<16xf32>
        %add3A_219 = arith.constant 1 : i32
        %add3A_220 = vector.broadcast %add3A_219 : i32 to vector<16xi32>
        %add3A_221 = arith.addi %add3A_203, %add3A_220 : vector<16xi32>
        %add3A_222 = arith.addf %add3A_150, %unpack3A_217 : vector<16xf32>
        %add3A_223 = arith.addf %add3A_151, %unpack3A_218 : vector<16xf32>
        %scan3A_224 = arith.constant 7 : i32
        %scan3A_225 = arith.addi %scan3A_93, %scan3A_224 : i32
        %mul3A_226 = arith.constant 1 : i32
        %mul3A_227 = arith.muli %scan3A_225, %mul3A_226 : i32
        %add3A_228 = arith.constant 0 : i32
        %add3A_229 = arith.addi %add3A_228, %mul3A_227 : i32
        %gather3A_230 = tpu.vector_load_idx %arg8[%add3A_58, %add3A_221] : memref<80x80xi32, #tpu.memory_space<vmem>>[vector<16xi32>, vector<16xi32>], vector<16xi32>,
        %gather3A_231 = tpu.vector_load_idx %arg12[%add3A_58, %add3A_221] : memref<80x80xi32, #tpu.memory_space<vmem>>[vector<16xi32>, vector<16xi32>], vector<16xi32>,
        %bitcast3A_232 = vector.bitcast %gather3A_230 : vector<16xi32> to vector<32xbf16>
        %bitcast3A_233 = vector.bitcast %gather3A_231 : vector<16xi32> to vector<32xbf16>
        %mul3A_234 = arith.mulf %bitcast3A_232, %bitcast3A_233 : vector<32xbf16>
        %unpack3A_235 = tpu.unpack_subelements %mul3A_234, 0 {pack_format = #tpu.pack_format<interleaved>} : vector<32xbf16> -> vector<16xf32>
        %unpack3A_236 = tpu.unpack_subelements %mul3A_234, 1 {pack_format = #tpu.pack_format<interleaved>} : vector<32xbf16> -> vector<16xf32>
        %add3A_237 = arith.constant 1 : i32
        %add3A_238 = vector.broadcast %add3A_237 : i32 to vector<16xi32>
        %add3A_239 = arith.addi %add3A_221, %add3A_238 : vector<16xi32>
        %add3A_240 = arith.addf %add3A_168, %unpack3A_235 : vector<16xf32>
        %add3A_241 = arith.addf %add3A_169, %unpack3A_236 : vector<16xf32>
        scf.yield %add3A_239, %add3A_186, %add3A_187, %add3A_204, %add3A_205, %add3A_222, %add3A_223, %add3A_240, %add3A_241 : vector<16xi32>, vector<16xf32>, vector<16xf32>, vector<16xf32>, vector<16xf32>, vector<16xf32>, vector<16xf32>, vector<16xf32>, vector<16xf32>
      }
      %scan3A_79 = arith.constant 64 : i32
      %add3A_80 = arith.addf %scan3A_78#1, %scan3A_78#2 : vector<16xf32>
      %add3A_81 = arith.addf %scan3A_78#3, %scan3A_78#4 : vector<16xf32>
      %add3A_82 = arith.addf %add3A_80, %add3A_81 : vector<16xf32>
      %add3A_83 = arith.addf %scan3A_78#5, %scan3A_78#6 : vector<16xf32>
      %add3A_84 = arith.addf %scan3A_78#7, %scan3A_78#8 : vector<16xf32>
      %add3A_85 = arith.addf %add3A_83, %add3A_84 : vector<16xf32>
      %add3A_86 = arith.addf %add3A_82, %add3A_85 : vector<16xf32>
      %mul3A_87 = arith.constant 16 : i32
      %mul3A_88 = arith.muli %add3A_54, %mul3A_87 : i32
      %add3A_89 = arith.constant 9920 : i32
      %add3A_90 = arith.addi %add3A_89, %mul3A_88 : i32
      %multiple_of3A_91 = tpu.assume_multiple %add3A_90, 8 : i32
      %swap3A = arith.index_cast %multiple_of3A_91 : i32 to index
      %swap3A_92 = tpu.vector_load %arg16[%swap3A] {strides = array<i32>} : memref<10000xf32, #tpu.memory_space<vmem>>, vector<16xf32>,
      tpu.vector_store %arg16[%swap3A], %add3A_86 {strides = array<i32>} : memref<10000xf32, #tpu.memory_space<vmem>>, vector<16xf32>,
    }
    %scan3A_49 = arith.constant 5 : i32
    "tpu.region"() ({
      %run_scoped3A = tpu.sem_alloc : memref<!tpu.dma_semaphore, #tpu.memory_space<semaphore_mem>>
      %dma_start3A_50 = tpu.memref_slice %arg5[%multiple_of3A] : memref<320000xf32, #tpu.memory_space<hbm>> -> memref<10000xf32, #tpu.memory_space<hbm>>
      %dma_start3A_51 = tpu.memref_slice %arg5[%multiple_of3A] : memref<320000xf32, #tpu.memory_space<hbm>> -> memref<10000xf32, #tpu.memory_space<hbm>>
      tpu.enqueue_dma source(%arg16 : memref<10000xf32, #tpu.memory_space<vmem>>) target(%dma_start3A_51 : memref<10000xf32, #tpu.memory_space<hbm>>) target_semaphore(%run_scoped3A : memref<!tpu.dma_semaphore, #tpu.memory_space<semaphore_mem>>)
      %dma_wait3A_52 = tpu.memref_slice %arg5[%multiple_of3A] : memref<320000xf32, #tpu.memory_space<hbm>> -> memref<10000xf32, #tpu.memory_space<hbm>>
      %dma_wait3A_53 = tpu.memref_slice %arg5[%multiple_of3A] : memref<320000xf32, #tpu.memory_space<hbm>> -> memref<10000xf32, #tpu.memory_space<hbm>>
      tpu.wait_dma2 semaphore(%run_scoped3A : memref<!tpu.dma_semaphore, #tpu.memory_space<semaphore_mem>>) src(%arg16 : memref<10000xf32, #tpu.memory_space<vmem>>) dst(%dma_wait3A_53 : memref<10000xf32, #tpu.memory_space<hbm>>)
      tpu.yield
    }) : () -> ()
    return
  }
}

</mosaic_0001>

<sc_bundles>
// kernel: kernel.3.cloned.1.call-start
scs
__scs_entry_jumppad:
0x0: {  	(pc) =	sbr.rel $0x88, $3  }
0x1: {  	(tag) =	ssettag $0x0;
	lr =	simm.s32 $0x1  }
0x2: {  	[smem:$0x3F9E] =	sst lr;
	_ =	strace $0xD0000000  }
0x3: {  	_ = 	snop  }
0x4: {  	_ = 	snop  }
0x5: {  	_ = 	snop  }
0x6: {  	_ = 	snop  }
0x7: {  	_ = 	snop  }
__scs_overlays_trampoline_lowered:
0x8: {  	[smem:$0x3FAD] =	sst s0  }
0x9: {  	[smem:$0x3FAE] =	sst s1  }
0xa: {  	[smem:$0x3FAF] =	sst s2  }
0xb: {  	[smem:$0x3FB0] =	sst s3  }
0xc: {  	[smem:$0x3FB1] =	sst s4  }
0xd: {  	[smem:$0x3FB2] =	sst s5  }
0xe: {  	[smem:$0x3FB3] =	sst s6  }
0xf: {  	[smem:$0x3FB4] =	sst s7  }
0x10: {  	[smem:$0x3FB5] =	sst s8  }
0x11: {  	[smem:$0x3FB6] =	sst s9;
	s0 =	simm.s32 @!p0 $0x0  }
0x12: {  	s1 =	sld [smem:$0x3F9C];
	s0 =	simm.s32 @p0 $0x1  }
0x13: {  	[smem:$0x3FB7] =	sst s0;
	s0 =	simm.s32 @!p1 $0x0  }
0x14: {  	s2 =	sld [smem:$0x3F9B];
	s0 =	simm.s32 @p1 $0x1  }
0x15: {  	[smem:$0x3FB8] =	sst s0;
	s0 =	simm.s32 @!p2 $0x0  }
0x16: {  	s3 =	sld [smem:$0x3FDB];
	s0 =	simm.s32 @p2 $0x1  }
0x17: {  	s4 =	simm.s32 $0x1BF5;
	[smem:$0x3FBA] =	sst s0  }
0x18: {  	s0 =	sld [smem:$0x3F9D];
	_ =	swait.ge [sflag:s4], $0x0  }
0x19: {  	s7 =	sld [smem:$0x3F9E]  }
0x1a: {  	s8 =	sadd.s32 $0xFFFFE003, lr  }
0x1b: {  	s9 =	sadd.s32 $0xFFFFFEF7, lr;
	s5 =	simm.s32 $0xFFFFFFFF;
	p2 =	slt.u32 s8, $0xFFFFF086  }
0x1c: {  	p1 =	slt.u32 s9, $0xF7A;
	s5 =	simm.s32 @!p2 $0x0  }
0x1d: {  	s5 =	simm.s32 @p1 $0x1;
	p0 =	seq.s32 s7, s2  }
0x1e: {  	s7 =	smul.u32 @!p0 $0xF7A, s2;
	p2 =	seq.s32 @!p0 s5, $0x0  }
0x1f: {  	s9 =	smul.u32 $0xF7A, s1;
	s8 =	simm.s32 @!p0 $0x1BF5;
	p2 =	por !p2, p0  }
0x20: {  	[sflag:s8] =	ssyncset.s32 @!p0 $0xFFFFF086;
	s6 =	sadd.s32 @!p0 s3, s7;
	s7 =	simm.s32 @!p0 $0x108  }
0x21: {  	s3 =	sadd.s32 s3, s9;
	s6 =	sadd.s32 @!p0 $0x88, s6;
	s7 =	simm.s32 @p2 $0x1082  }
0x22: {  	[simem:s7], [sflag:s8] =	dma.local @!p0 [hbm:s6], $0xF7A  }
0x23: {  	s9 =	sor.u32 $0xD0000000, s2;
	s6 =	simm.s32 $0x108;
	_ =	swait.ge @!p0 [sflag:s8], $0x0  }
0x24: {  	s3 =	sadd.s32 $0x88, s3;
	s6 =	simm.s32 @!p1 $0x1082;
	[sflag:s4] =	ssyncset.s32 $0xFFFFF086  }
0x25: {  	[simem:s6], [sflag:s4] =	dma.local [hbm:s3], $0xF7A  }
0x26: {  	[smem:$0x3F9E] =	sst s1;
	(tag) =	ssettag s2;
	_ =	strace s9  }
0x27: {  	s1 =	sld [smem:$0x3FAE]  }
0x28: {  	s2 =	sld [smem:$0x3FAF]  }
0x29: {  	s4 =	sld [smem:$0x3FB1]  }
0x2a: {  	p0 =	seq.s32 s5, $0x0;
	s5 =	sld [smem:$0x3FB2]  }
0x2b: {  	s6 =	sld [smem:$0x3FB3]  }
0x2c: {  	s7 =	sld [smem:$0x3FB4]  }
0x2d: {  	s3 =	simm.s32 $0x108;
	s8 =	sld [smem:$0x3FB5]  }
0x2e: {  	s3 =	simm.s32 @!p0 $0x1082;
	s9 =	sld [smem:$0x3FB6]  }
0x2f: {  	lr =	sadd.s32 s0, s3;
	s0 =	sld [smem:$0x3FAD]  }
0x30: {  	s3 =	sld [smem:$0x3FB0]  }
0x31: {  	[smem:$0x3FB9] =	sst s10  }
0x32: {  	s10 =	sld [smem:$0x3FB7];
	_ =	sdelay $0x3  }
0x33: {  	p0 =	seq.s32 s10, $0x1;
	s10 =	sld [smem:$0x3FB9];
	_ =	sdelay $0x3  }
0x34: {  	[smem:$0x3FB9] =	sst s10  }
0x35: {  	s10 =	sld [smem:$0x3FB8];
	_ =	sdelay $0x3  }
0x36: {  	p1 =	seq.s32 s10, $0x1;
	s10 =	sld [smem:$0x3FB9];
	_ =	sdelay $0x3  }
0x37: {  	[smem:$0x3FB9] =	sst s10  }
0x38: {  	s10 =	sld [smem:$0x3FBA]  }
0x39: {  	_ = 	snop;
	(pc) =	sbr.ind lr, $3  }
0x3a: {  	_ = 	snop  }
0x3b: {  	_ = 	snop  }
0x3c: {  	p2 =	seq.s32 s10, $0x1;
	s10 =	sld [smem:$0x3FB9]  }
0x3d: {  	_ =	shalt  }
0x3e: {  	_ =	shalt  }
0x3f: {  	_ =	shalt  }
0x40: {  	_ =	shalt  }
0x41: {  	_ =	shalt  }
0x42: {  	_ =	shalt  }
0x43: {  	_ =	shalt  }
0x44: {  	_ =	shalt  }
0x45: {  	_ =	shalt  }
0x46: {  	_ =	shalt  }
0x47: {  	_ =	shalt  }
0x48: {  	_ =	shalt  }
0x49: {  	_ =	shalt  }
0x4a: {  	_ =	shalt  }
0x4b: {  	_ =	shalt  }
0x4c: {  	_ =	shalt  }
0x4d: {  	_ =	shalt  }
0x4e: {  	_ =	shalt  }
0x4f: {  	_ =	shalt  }
0x50: {  	_ =	shalt  }
0x51: {  	_ =	shalt  }
0x52: {  	_ =	shalt  }
0x53: {  	_ =	shalt  }
0x54: {  	_ =	shalt  }
0x55: {  	_ =	shalt  }
0x56: {  	_ =	shalt  }
0x57: {  	_ =	shalt  }
0x58: {  	_ =	shalt  }
0x59: {  	_ =	shalt  }
0x5a: {  	_ =	shalt  }
0x5b: {  	_ =	shalt  }
0x5c: {  	_ =	shalt  }
0x5d: {  	_ =	shalt  }
0x5e: {  	_ =	shalt  }
0x5f: {  	_ =	shalt  }
0x60: {  	_ =	shalt  }
0x61: {  	_ =	shalt  }
0x62: {  	_ =	shalt  }
0x63: {  	_ =	shalt  }
0x64: {  	_ =	shalt  }
0x65: {  	_ =	shalt  }
0x66: {  	_ =	shalt  }
0x67: {  	_ =	shalt  }
0x68: {  	_ =	shalt  }
0x69: {  	_ =	shalt  }
0x6a: {  	_ =	shalt  }
0x6b: {  	_ =	shalt  }
0x6c: {  	_ =	shalt  }
0x6d: {  	_ =	shalt  }
0x6e: {  	_ =	shalt  }
0x6f: {  	_ =	shalt  }
0x70: {  	_ =	shalt  }
0x71: {  	_ =	shalt  }
0x72: {  	_ =	shalt  }
0x73: {  	_ =	shalt  }
0x74: {  	_ =	shalt  }
0x75: {  	_ =	shalt  }
0x76: {  	_ =	shalt  }
0x77: {  	_ =	shalt  }
0x78: {  	_ =	shalt  }
0x79: {  	_ =	shalt  }
0x7a: {  	_ =	shalt  }
0x7b: {  	_ =	shalt  }
0x7c: {  	_ =	shalt  }
0x7d: {  	_ =	shalt  }
0x7e: {  	_ =	shalt  }
0x7f: {  	_ =	shalt  }
0x80: {  	_ =	shalt  }
0x81: {  	_ =	shalt  }
0x82: {  	_ =	shalt  }
0x83: {  	_ =	shalt  }
0x84: {  	_ =	shalt  }
0x85: {  	_ =	shalt  }
0x86: {  	_ =	shalt  }
0x87: {  	_ =	shalt  }
.Lfunc_end0:
.L_simem_size_0:
called_computation_lowered:
.L_overlay_start_0:
0x88: {  	s2 =	sld [smem:$0x3FD9]  }
0x89: {  	s3 =	sld [smem:$0x3FFE];
	_ =	sdelay $0x1  }
0x8a: {  	s1 =	srdreg.scid  }
0x8b: {  	s0 =	sand.u32 $0x1, s1  }
0x8c: {  	s16 =	sshll.u32 s0, $0xA;
	s2 =	sadd.s32 s3, s2  }
0x8d: {  	s2 =	sadd.s32 s2, s16  }
0x8e: {  	[smem:$0x3FC5] =	sst s2  }
0x8f: {  	_ = 	snop  }
0x90: {  	(tm) =	ssettm $0x1  }
0x91: {  	s17 =	sld [smem:$0x3FFB];
	_ =	sdelay $0x3  }
0x92: {  	_ =	strace s17  }
0x93: {  	s2 =	sld [smem:$0x3FFC];
	_ =	sdelay $0x3  }
0x94: {  	_ =	strace s2  }
0x95: {  	s2 =	sld [smem:$0x3FFD];
	_ =	sdelay $0x3  }
0x96: {  	_ =	strace s2  }
0x97: {  	_ =	strace $0x8FFFFFFF  }
0x98: {  	s18 =	sld [smem:$0x3FDB];
	_ =	sdelay $0x1  }
0x99: {  	s19 =	simm.s32 $_scs_section_size  }
0x9a: {  	s4 =	simm.s32 $_size__tile_overlayer_lowered;
	s5 =	simm.s32 $_tile_overlayer_lowered  }
0x9b: {  	s22 =	simm.s32 $0x1BFF;
	s21 =	sshll.u32 s5, $0x1;
	s2 =	sadd.s32 s19, s18  }
0x9c: {  	s6 =	simm.s32 $0x0;
	s20 =	sshll.u32 s4, $0x1;
	s4 =	sadd.s32 s21, s2  }
0x9d: {  	[timem:s6], [sflag:s22] =	dma.local [hbm:s4], s20  }
0x9e: {  	_ =	swait.ge [sflag:s22], s20  }
0x9f: {  	s3 =	ssub.s32 $0x0, s20;
	[sflag:s22] =	ssyncset.done $0x0  }
0xa0: {  	[sflag:s22] =	ssyncadd.s32 s3;
	_ =	sdelay $0x1  }
0xa1: {  	s23 =	simm.s32 $0x1B8B  }
0xa2: {  	_ =	swait.ge [sflag:s23], $0x1  }
0xa3: {  	[sflag:s23] =	ssyncset.done $0x0  }
0xa4: {  	s25 =	simm.s32 $0x1B8E;
	s24 =	sld [smem:$0x3FFE];
	[sflag:s23] =	ssyncadd.s32 $0xFFFFFFFF  }
0xa5: {  	s26 =	simm.s32 $execute0_lowered;
	[smem:$0x3FD2] =	sst s25  }
0xa6: {  	s4 =	sshll.u32 s26, $0x1;
	_ =	strace $0x80000046;
	[dreg:$0x1] =	wrdreg $0xFFFFFFFF  }
0xa7: {  	s28 =	simm.s32 $_size_execute0_lowered;
	s2 =	sadd.s32 s2, s4;
	[dreg:$0x0] =	wrdreg $0x0  }
0xa8: {  	s4 =	sshll.u32 s28, $0x1;
	[dreg:$0x2] =	wrdreg s2  }
0xa9: {  	[dreg:$0x3] =	wrdreg s4  }
0xaa: {  	[dreg:$0x4] =	wrdreg $0xC0  }
0xab: {  	_ =	task [dreg:s6], $0x5FFFF  }
0xac: {  	[dreg:$0x1] =	wrdreg $0xFFFFFFFF  }
0xad: {  	[dreg:$0x0] =	wrdreg $0x60  }
0xae: {  	[dreg:$0x2] =	wrdreg s24  }
0xaf: {  	[dreg:$0x3] =	wrdreg $0x9  }
0xb0: {  	_ =	task.clear_ibuf [dreg:s6], $0x4FFFF;
	_ =	strace $0x90000046  }
0xb1: {  	s29 =	simm.s32 $0x9;
	_ =	strace $0x80000048  }
0xb2: {  	_ =	swait.ge [sflag:s29], $0x1  }
0xb3: {  	[sflag:s29] =	ssyncadd.s32 $0xFFFFFFFF  }
0xb4: {  	_ =	strace $0x90000048  }
0xb5: {  	_ =	sfence  }
0xb6: {  	s30 =	sld [smem:$0x0];
	_ =	sdelay $0x2  }
0xb7: {  	s31 =	sshll.u32 s1, $0xD;
	s1 =	sshrl.u32 s1, $0x2  }
0xb8: {  	s3 =	sand.u32 $0x4000, s31;
	s1 =	sadd.s32 s1, s30  }
0xb9: {  	s0 =	sor.u32 s3, s0;
	s1 =	sshll.u32 s1, $0x11  }
0xba: {  	s0 =	sor.u32 s1, s0  }
0xbb: {  	s0 =	sadd.s32 $0x8F2B, s0  }
0xbc: {  	[sflag:s0] =	ssyncadd.remote.s32 $0x1  }
0xbd: {  	_ =	sfence.sel $0xFFFF  }
0xbe: {  	[dreg:$0x0] =	wrdreg $0xFFFFFFFF;
	(pc) =	sbr.abs _section_cstart, $3  }
0xbf: {  	[dreg:$0x1] =	wrdreg $0xFFFFFFFF  }
0xc0: {  	_ =	task.clear_ibuf [dreg:s6], $0x2FFFF;
	_ =	strace $0x9FFFFFFF  }
0xc1: {  	(tm) =	ssettm $0x7FFFFFFF  }
tec
execute0_lowered:
.L_overlay_start_1:
0x0: {  	(tag) =	ssettag $0x1  }
0x1: {  	s0 =	srdreg.scid;
	s1 =	stileid.u32  }
0x2: {  	s2 =	rddreg [dreg:$0x0];
	s3 =	simm.s32 $0x0;
	s8 =	simm.s32 $0x9  }
0x3: {  	s10 =	simm.s32 $0x50;
	s11 =	simm.s32 $0x4E20;
	s12 =	simm.s32 $0xB220  }
0x4: {  	s13 =	simm.s32 $0x6720;
	s15 =	simm.s32 $0xCB20;
	s17 =	simm.s32 $0x8020  }
0x5: {  	s19 =	simm.s32 $0xE420;
	s20 =	simm.s32 $0x9920;
	s21 =	simm.s32 $0xFD20  }
0x6: {  	s22 =	simm.s32 $0x1;
	s23 =	simm.s32 $0x5;
	s24 =	simm.s32 $0x2  }
0x7: {  	s25 =	simm.s32 $0x6;
	s0 =	sand.u32 $0x1, s0;
	s1 =	sshll.u32 s1, $0x1  }
0x8: {  	s26 =	simm.s32 $0x3;
	s28 =	simm.s32 $0x7;
	s1 =	sor.u32 s0, s1  }
0x9: {  	s29 =	simm.s32 $0x4;
	s0 =	ssub.s32 $0x2, s0;
	s1 =	smul.u32 $0x4E2, s1  }
0xa: {  	s30 =	simm.s32 $0x8;
	[smem:$0x7FF] =	sst s3;
	s4 =	sshrl.u32 s0, $0x1  }
0xb: {  	_ =	strace $0x80000047;
	s0 =	ssub.s32 s0, s4;
	s1 =	sadd.s32 s1, s2  }
0xc: {  	s7 =	smax.u32 s0, $0x1;
	s31 =	sadd.s32 $0x22600, s1;
	s5 =	sadd.s32 $0x18800, s1  }
0xd: {  	s6 =	sadd.s32 $0x2C400, s1;
	s1 =	simm.s32 $0x0;
	[dreg:$0x2] =	wrdreg s31  }
.LBB2_1:
0xe: {  	s0 =	rddreg [dreg:$0x2]  }
0xf: {  	[tilespmem:s3], [sflag:$0x9] =	stream.linear.gather [hbm4b:s0+s3], $0x2710, $0x38;
	[tilespmem:$0x13D30] =	vst v63  }
0x10: {  	_ =	swait.ge [sflag:s8], $0x2710  }
0x11: {  	[sflag:s8] =	ssyncset.done $0x0  }
0x12: {  	s14 =	simm.s32 $0x2710;
	[sflag:s8] =	ssyncadd.s32 $0xFFFFD8F0  }
0x13: {  	[tilespmem:s14], [sflag:$0x9] =	stream.linear.gather [hbm4b:s5+s3], $0x2710, $0x38;
	[tilespmem:$0x13D30] =	vst v63  }
0x14: {  	_ =	swait.ge [sflag:s8], $0x2710  }
0x15: {  	[sflag:s8] =	ssyncset.done $0x0  }
0x16: {  	[sflag:s8] =	ssyncadd.s32 $0xFFFFD8F0  }
0x17: {  	[tilespmem:s11], [sflag:$0x1] =	stream.indirect.gather [hbm4b:s2+s10], $0x50, s3, s10, $0xb8;
	[tilespmem:$0x13D30] =	vst v63  }
0x18: {  	_ = 	snop  }
0x19: {  	[tilespmem:s12], [sflag:$0x5] =	stream.indirect.gather [hbm4b:s2+s10], $0x50, s14, s10, $0xb8;
	[tilespmem:$0x13D30] =	vst v63  }
0x1a: {  	_ = 	snop  }
0x1b: {  	[tilespmem:s13], [sflag:$0x2] =	stream.indirect.gather [hbm4b:s2+s10], $0x50, s10, s10, $0xb8;
	[tilespmem:$0x13D30] =	vst v63  }
0x1c: {  	s16 =	simm.s32 $0x2760  }
0x1d: {  	[tilespmem:s15], [sflag:$0x6] =	stream.indirect.gather [hbm4b:s2+s10], $0x50, s16, s10, $0xb8;
	[tilespmem:$0x13D30] =	vst v63  }
0x1e: {  	s18 =	simm.s32 $0xA0  }
0x1f: {  	[tilespmem:s17], [sflag:$0x3] =	stream.indirect.gather [hbm4b:s2+s10], $0x50, s18, s10, $0xb8;
	[tilespmem:$0x13D30] =	vst v63  }
0x20: {  	s31 =	simm.s32 $0x27B0;
	s0 =	simm.s32 $0x0  }
0x21: {  	[tilespmem:s19], [sflag:$0x7] =	stream.indirect.gather [hbm4b:s2+s10], $0x50, s31, s10, $0xb8;
	[tilespmem:$0x13D30] =	vst v63  }
.LBB2_2:
0x22: {  	s14 =	sshllo.u32 s0, $0x2  }
0x23: {  	s4 =	smul.u32 $0x50, s14;
	_ =	sdelay $0x1  }
0x24: {  	[tilespmem:s20], [sflag:$0x4] =	stream.indirect.gather [hbm4b:s2+s10], $0x50, s4, s10, $0xb8;
	[tilespmem:$0x13D30] =	vst v63  }
0x25: {  	s4 =	sadd.s32 $0x2710, s4  }
0x26: {  	[tilespmem:s21], [sflag:$0x8] =	stream.indirect.gather [hbm4b:s2+s10], $0x50, s4, s10, $0xb8;
	[tilespmem:$0x13D30] =	vst v63  }
0x27: {  	_ =	swait.ge [sflag:s22], $0x1900  }
0x28: {  	s31 =	smul.u32 $0x500, s0;
	[sflag:s22] =	ssyncset.done $0x0  }
0x29: {  	[sflag:s22] =	ssyncadd.s32 $0xFFFFE700  }
0x2a: {  	s18 =	sshra.s32 s31, $0x2;
	_ =	swait.ge [sflag:s23], $0x1900  }
0x2b: {  	s4 =	sadd.s32 $0x11620, s18;
	[sflag:s23] =	ssyncset.done $0x0  }
0x2c: {  	s16 =	simm.s32 $0x0;
	v0 =	vmov s4;
	[sflag:s23] =	ssyncadd.s32 $0xFFFFE700  }
.LBB2_3:
0x2d: {  	s31 =	sshll.u32 s16, $0x4  }
0x2e: {  	v1 =	vmov s31  }
0x2f: {  	v2 =	vmul.u32 $0x50, v1  }
0x30: {  	v1 =	vlaneseq.u32  }
0x31: {  	v3 =	vmul.u32 $0x50, v1;
	v2 =	vbroadcast v2, $0x0  }
0x32: {  	v4 =	vadd.s32 $0x7, v1  }
0x33: {  	v5 =	vadd.s32 $0x1, v1;
	v2 =	vadd.s32 v3, v2;
	v3 =	vand.u32 $0xFFFFFFF8, v4  }
0x34: {  	v6 =	vand.u32 $0xFFFFFFF8, v5;
	v4 =	vand.u32 $0x7, v4;
	v3 =	vadd.s32 v2, v3  }
0x35: {  	v3 =	vor.u32 v4, v3;
	v4 =	vand.u32 $0x7, v5;
	v5 =	vadd.s32 v2, v6  }
0x36: {  	v4 =	vor.u32 v4, v5;
	_ =	sdelay $0x1  }
0x37: {  	v6 =	vadd.s32 $0x2, v1  }
0x38: {  	v7 =	vadd.s32 $0x6, v1;
	v8 =	vadd.s32 $0x3, v1;
	v5 =	vand.u32 $0xFFFFFFF8, v6  }
0x39: {  	v10 =	vand.u32 $0xFFFFFFF8, v1;
	v6 =	vand.u32 $0x7, v6;
	v5 =	vadd.s32 v2, v5  }
0x3a: {  	v11 =	vand.u32 $0x7, v1;
	v13 =	vand.u32 $0xFFFFFFF8, v8;
	v5 =	vor.u32 v6, v5;
	v12 =	vld.idx.msk [tilespmem:v4+s11+$0x0], $0xffff  }
0x3b: {  	v8 =	vand.u32 $0x7, v8;
	v10 =	vadd.s32 v2, v10;
	v13 =	vadd.s32 v2, v13;
	v4 =	vld.idx.msk [tilespmem:v4+s12+$0x0], $0xffff  }
0x3c: {  	v15 =	vor.u32 v11, v10;
	v11 =	vadd.s32 $0x4, v1;
	v8 =	vor.u32 v8, v13;
	v6 =	vld.idx.msk [tilespmem:v3+s11+$0x0], $0xffff  }
0x3d: {  	v14 =	vand.u32 $0x7, v7;
	v17 =	vand.u32 $0xFFFFFFF8, v11;
	v3 =	vld.idx.msk [tilespmem:v3+s12+$0x0], $0xffff  }
0x3e: {  	v10 =	vadd.s32 $0x5, v1;
	v11 =	vand.u32 $0x7, v11;
	v17 =	vadd.s32 v2, v17  }
0x3f: {  	v7 =	vand.u32 $0xFFFFFFF8, v7;
	v16 =	vand.u32 $0xFFFFFFF8, v10;
	v11 =	vor.u32 v11, v17;
	v13 =	vld.idx.msk [tilespmem:v5+s12+$0x0], $0xffff  }
0x40: {  	v5 =	vld.idx.msk [tilespmem:v5+s11+$0x0], $0xffff;
	v4 =	vmul.bf16 v4, v12;
	v12 =	vadd.s32 v2, v16;
	v16 =	vand.u32 $0x7, v10  }
0x41: {  	v9 =	vimm.f32 $0.0e+00;
	v7 =	vadd.s32 v2, v7;
	v19 =	vld.idx.msk [tilespmem:v8+s11+$0x0], $0xffff;
	v17 =	vor.u32 v16, v12  }
0x42: {  	v20 =	vld.idx.msk [tilespmem:v15+s11+$0x0], $0xffff;
	v18 =	vmul.bf16 v3, v6;
	v6 =	vimm.f32 $0.0e+00;
	v10 =	vor.u32 v14, v7  }
0x43: {  	v3 =	vimm.f32 $0.0e+00;
	v14 =	vld.idx.msk [tilespmem:v15+s12+$0x0], $0xffff;
	v7 =	vimm.f32 $0.0e+00;
	v12 =	vimm.f32 $0.0e+00  }
0x44: {  	v16 =	vld.idx.msk [tilespmem:v8+s12+$0x0], $0xffff;
	v8 =	vimm.f32 $0.0e+00;
	v21 =	vunpack.i.u.bf16.f32 v4;
	v22 =	vunpack.i.l.bf16.f32 v4  }
0x45: {  	s9 =	simm.s32 $0x0;
	v15 =	vld.idx.msk [tilespmem:v11+s12+$0x0], $0xffff;
	v13 =	vmul.bf16 v13, v5;
	v5 =	vimm.f32 $0.0e+00;
	v4 =	vimm.f32 $0.0e+00  }
.LBB2_4:
0x46: {  	s9 =	sadd.s32 $0x8, s9;
	v9 =	vadd.f32 v22, v9;
	v12 =	vadd.f32 v21, v12;
	v21 =	vld.idx.msk [tilespmem:v17+s12+$0x0], $0xffff;
	v1 =	vadd.s32 $0x8, v1  }
0x47: {  	v25 =	vunpack.i.l.bf16.f32 v18;
	v22 =	vadd.s32 $0x6, v1;
	v23 =	vadd.s32 $0x7, v1;
	p0 =	slt.u32 s9, $0x38;
	v24 =	vld.idx.msk [tilespmem:v10+s11+$0x0], $0xffff  }
0x48: {  	v26 =	vand.u32 $0x7, v22;
	v27 =	vand.u32 $0xFFFFFFF8, v23;
	v23 =	vand.u32 $0x7, v23;
	v17 =	vld.idx.msk [tilespmem:v17+s11+$0x0], $0xffff  }
0x49: {  	v28 =	vunpack.i.u.bf16.f32 v18;
	v16 =	vmul.bf16 v16, v19;
	v27 =	vadd.s32 v2, v27;
	v10 =	vld.idx.msk [tilespmem:v10+s12+$0x0], $0xffff  }
0x4a: {  	v18 =	vadd.s32 $0x5, v1;
	v14 =	vmul.bf16 v14, v20;
	v19 =	vor.u32 v23, v27;
	v11 =	vld.idx.msk [tilespmem:v11+s11+$0x0], $0xffff  }
0x4b: {  	v20 =	vadd.s32 $0x4, v1;
	v23 =	vand.u32 $0xFFFFFFF8, v18;
	v27 =	vunpack.i.l.bf16.f32 v13  }
0x4c: {  	v29 =	vadd.s32 $0x3, v1;
	v30 =	vand.u32 $0xFFFFFFF8, v20;
	v31 =	vunpack.i.l.bf16.f32 v16  }
0x4d: {  	v32 =	vand.u32 $0xFFFFFFF8, v1;
	v33 =	vand.u32 $0x7, v1;
	v34 =	vunpack.i.l.bf16.f32 v14  }
0x4e: {  	v35 =	vadd.s32 $0x1, v1;
	v36 =	vadd.s32 $0x2, v1;
	v17 =	vmul.bf16 v21, v17  }
0x4f: {  	v13 =	vunpack.i.u.bf16.f32 v13;
	v21 =	vand.u32 $0xFFFFFFF8, v35;
	v35 =	vand.u32 $0x7, v35  }
0x50: {  	v37 =	vand.u32 $0xFFFFFFF8, v29;
	v21 =	vadd.s32 v2, v21;
	v24 =	vmul.bf16 v10, v24  }
0x51: {  	v10 =	vor.u32 v35, v21;
	v21 =	vand.u32 $0xFFFFFFF8, v36;
	v11 =	vmul.bf16 v15, v11  }
0x52: {  	v30 =	vadd.s32 v2, v30;
	v15 =	vadd.s32 v2, v21;
	v21 =	vadd.s32 v2, v37  }
0x53: {  	v32 =	vadd.s32 v2, v32;
	v35 =	vand.u32 $0x7, v36;
	v36 =	vunpack.i.u.bf16.f32 v17  }
0x54: {  	v29 =	vand.u32 $0x7, v29;
	v12 =	vadd.f32 v36, v12;
	v15 =	vor.u32 v35, v15  }
0x55: {  	v32 =	vor.u32 v33, v32;
	v23 =	vadd.s32 v2, v23;
	v21 =	vor.u32 v29, v21;
	v29 =	vld.idx.msk [tilespmem:v19+s11+$0x0], $0xffff  }
0x56: {  	v22 =	vand.u32 $0xFFFFFFF8, v22;
	v18 =	vand.u32 $0x7, v18;
	v17 =	vunpack.i.l.bf16.f32 v17;
	v33 =	vld.idx.msk [tilespmem:v10+s11+$0x0], $0xffff  }
0x57: {  	v22 =	vadd.s32 v2, v22;
	v7 =	vadd.f32 v34, v7;
	v35 =	vld.idx.msk [tilespmem:v19+s12+$0x0], $0xffff;
	v19 =	vunpack.i.u.bf16.f32 v11  }
0x58: {  	v8 =	vadd.f32 v27, v8;
	v34 =	vld.idx.msk [tilespmem:v10+s12+$0x0], $0xffff;
	v10 =	vor.u32 v26, v22;
	v22 =	vunpack.i.u.bf16.f32 v16  }
0x59: {  	v14 =	vunpack.i.u.bf16.f32 v14;
	v5 =	vadd.f32 v31, v5;
	v9 =	vadd.f32 v17, v9;
	v26 =	vld.idx.msk [tilespmem:v15+s12+$0x0], $0xffff  }
0x5a: {  	v6 =	vadd.f32 v14, v6;
	v14 =	vunpack.i.l.bf16.f32 v11;
	v16 =	vand.u32 $0x7, v20;
	v15 =	vld.idx.msk [tilespmem:v15+s11+$0x0], $0xffff  }
0x5b: {  	v5 =	vadd.f32 v25, v5;
	v7 =	vadd.f32 v14, v7;
	v11 =	vor.u32 v16, v30  }
.Ltmp0:
0x5c: {  	v4 =	vadd.f32 v13, v4;
	v17 =	vor.u32 v18, v23;
	v13 =	vunpack.i.l.bf16.f32 v24;
	v14 =	vld.idx.msk [tilespmem:v32+s12+$0x0], $0xffff;
	(pc) =	sbr.rel @p0 .LBB2_4-.Ltmp0, $4  }
0x5d: {  	v18 =	vunpack.i.u.bf16.f32 v24;
	v6 =	vadd.f32 v19, v6;
	v3 =	vadd.f32 v22, v3;
	v16 =	vld.idx.msk [tilespmem:v21+s12+$0x0], $0xffff  }
0x5e: {  	v8 =	vadd.f32 v13, v8;
	v4 =	vadd.f32 v18, v4;
	v22 =	vmul.bf16 v34, v33;
	v19 =	vld.idx.msk [tilespmem:v21+s11+$0x0], $0xffff  }
0x5f: {  	v3 =	vadd.f32 v28, v3;
	v18 =	vmul.bf16 v35, v29;
	v20 =	vld.idx.msk [tilespmem:v32+s11+$0x0], $0xffff  }
0x60: {  	v21 =	vunpack.i.u.bf16.f32 v22;
	v22 =	vunpack.i.l.bf16.f32 v22;
	v13 =	vmul.bf16 v26, v15;
	v15 =	vld.idx.msk [tilespmem:v11+s12+$0x0], $0xffff  }
0x61: {  	_ =	sdelay $0x3  }
0x62: {  	v1 =	vld.idx.msk [tilespmem:v17+s12+$0x0], $0xffff  }
0x63: {  	v2 =	vld.idx.msk [tilespmem:v17+s11+$0x0], $0xffff  }
0x64: {  	v11 =	vld.idx.msk [tilespmem:v11+s11+$0x0], $0xffff  }
0x65: {  	v52 =	vld.idx.msk [tilespmem:v10+s11+$0x0], $0xffff;
	v9 =	vadd.f32 v22, v9;
	v12 =	vadd.f32 v21, v12;
	v54 =	vunpack.i.l.bf16.f32 v18  }
0x66: {  	v53 =	vld.idx.msk [tilespmem:v10+s12+$0x0], $0xffff;
	v55 =	vunpack.i.l.bf16.f32 v13;
	v59 =	vunpack.i.u.bf16.f32 v13;
	v16 =	vmul.bf16 v16, v19  }
0x67: {  	v8 =	vadd.f32 v55, v8;
	v4 =	vadd.f32 v59, v4;
	v14 =	vmul.bf16 v14, v20  }
0x68: {  	v56 =	vunpack.i.l.bf16.f32 v16;
	v62 =	vunpack.i.u.bf16.f32 v16;
	v1 =	vmul.bf16 v1, v2  }
0x69: {  	v2 =	vunpack.i.u.bf16.f32 v18;
	v57 =	vunpack.i.l.bf16.f32 v14;
	v11 =	vmul.bf16 v15, v11  }
0x6a: {  	v14 =	vunpack.i.u.bf16.f32 v14;
	v5 =	vadd.f32 v56, v5;
	v3 =	vadd.f32 v62, v3  }
0x6b: {  	v10 =	vmul.bf16 v53, v52;
	v7 =	vadd.f32 v57, v7;
	v6 =	vadd.f32 v14, v6  }
0x6c: {  	v58 =	vunpack.i.u.bf16.f32 v1;
	v1 =	vunpack.i.l.bf16.f32 v1;
	v60 =	vunpack.i.u.bf16.f32 v11  }
0x6d: {  	v61 =	vunpack.i.l.bf16.f32 v11;
	v5 =	vadd.f32 v54, v5;
	v2 =	vadd.f32 v2, v3  }
0x6e: {  	v63 =	vunpack.i.l.bf16.f32 v10;
	v12 =	vadd.f32 v58, v12;
	v1 =	vadd.f32 v1, v9  }
0x6f: {  	v10 =	vunpack.i.u.bf16.f32 v10;
	v7 =	vadd.f32 v61, v7;
	v6 =	vadd.f32 v60, v6  }
0x70: {  	v8 =	vadd.f32 v63, v8;
	v4 =	vadd.f32 v10, v4  }
0x71: {  	v2 =	vadd.f32 v2, v5;
	v3 =	vadd.f32 v6, v7  }
0x72: {  	s16 =	sadd.s32 $0x1, s16;
	v1 =	vadd.f32 v12, v1;
	v4 =	vadd.f32 v4, v8  }
0x73: {  	p0 =	sne.s32 s16, $0x5  }
.Ltmp1:
0x74: {  	v1 =	vadd.f32 v1, v3;
	v2 =	vadd.f32 v2, v4;
	(pc) =	sbr.rel @p0 .LBB2_3-.Ltmp1, $3  }
0x75: {  	_ = 	snop  }
0x76: {  	v1 =	vadd.f32 v2, v1;
	_ =	sdelay $0x1  }
0x77: {  	[tilespmem:v0+s31+$0x0 ss:$0x1] =	vst.idx.msk $0xffff, v1  }
0x78: {  	s16 =	smul.u32 $0x140, s0;
	_ =	sdelay $0x1  }
0x79: {  	s4 =	sadd.s32 $0x140, s16  }
0x7a: {  	[tilespmem:s11], [sflag:$0x1] =	stream.indirect.gather [hbm4b:s2+s10], $0x50, s4, s10, $0xb8;
	[tilespmem:$0x13D30] =	vst v63  }
0x7b: {  	s9 =	sadd.s32 $0x2850, s16  }
0x7c: {  	[tilespmem:s12], [sflag:$0x5] =	stream.indirect.gather [hbm4b:s2+s10], $0x50, s9, s10, $0xb8;
	[tilespmem:$0x13D30] =	vst v63  }
0x7d: {  	_ =	swait.ge [sflag:s24], $0x1900  }
0x7e: {  	[sflag:s24] =	ssyncset.done $0x0  }
0x7f: {  	[sflag:s24] =	ssyncadd.s32 $0xFFFFE700  }
0x80: {  	_ =	swait.ge [sflag:s25], $0x1900  }
0x81: {  	s9 =	sadd.s32 $0x11670, s18;
	[sflag:s25] =	ssyncset.done $0x0  }
0x82: {  	s31 =	simm.s32 $0x0;
	v0 =	vmov s9;
	[sflag:s25] =	ssyncadd.s32 $0xFFFFE700  }
.LBB2_7:
0x83: {  	s9 =	sshll.u32 s31, $0x4  }
0x84: {  	v1 =	vmov s9  }
0x85: {  	v2 =	vmul.u32 $0x50, v1  }
0x86: {  	v1 =	vlaneseq.u32  }
0x87: {  	v3 =	vmul.u32 $0x50, v1;
	v2 =	vbroadcast v2, $0x0  }
0x88: {  	v4 =	vadd.s32 $0x7, v1  }
0x89: {  	v5 =	vadd.s32 $0x1, v1;
	v2 =	vadd.s32 v3, v2;
	v3 =	vand.u32 $0xFFFFFFF8, v4  }
0x8a: {  	v6 =	vand.u32 $0xFFFFFFF8, v5;
	v4 =	vand.u32 $0x7, v4;
	v3 =	vadd.s32 v2, v3  }
0x8b: {  	v3 =	vor.u32 v4, v3;
	v4 =	vand.u32 $0x7, v5;
	v5 =	vadd.s32 v2, v6  }
0x8c: {  	v4 =	vor.u32 v4, v5;
	_ =	sdelay $0x1  }
0x8d: {  	v6 =	vadd.s32 $0x2, v1  }
0x8e: {  	v7 =	vadd.s32 $0x6, v1;
	v8 =	vadd.s32 $0x3, v1;
	v5 =	vand.u32 $0xFFFFFFF8, v6  }
0x8f: {  	v10 =	vand.u32 $0xFFFFFFF8, v1;
	v6 =	vand.u32 $0x7, v6;
	v5 =	vadd.s32 v2, v5  }
0x90: {  	v11 =	vand.u32 $0x7, v1;
	v13 =	vand.u32 $0xFFFFFFF8, v8;
	v5 =	vor.u32 v6, v5;
	v12 =	vld.idx.msk [tilespmem:v4+s13+$0x0], $0xffff  }
0x91: {  	v8 =	vand.u32 $0x7, v8;
	v10 =	vadd.s32 v2, v10;
	v13 =	vadd.s32 v2, v13;
	v4 =	vld.idx.msk [tilespmem:v4+s15+$0x0], $0xffff  }
0x92: {  	v15 =	vor.u32 v11, v10;
	v11 =	vadd.s32 $0x4, v1;
	v8 =	vor.u32 v8, v13;
	v6 =	vld.idx.msk [tilespmem:v3+s13+$0x0], $0xffff  }
0x93: {  	v14 =	vand.u32 $0x7, v7;
	v17 =	vand.u32 $0xFFFFFFF8, v11;
	v3 =	vld.idx.msk [tilespmem:v3+s15+$0x0], $0xffff  }
0x94: {  	v10 =	vadd.s32 $0x5, v1;
	v11 =	vand.u32 $0x7, v11;
	v17 =	vadd.s32 v2, v17  }
0x95: {  	v7 =	vand.u32 $0xFFFFFFF8, v7;
	v16 =	vand.u32 $0xFFFFFFF8, v10;
	v11 =	vor.u32 v11, v17;
	v13 =	vld.idx.msk [tilespmem:v5+s15+$0x0], $0xffff  }
0x96: {  	v5 =	vld.idx.msk [tilespmem:v5+s13+$0x0], $0xffff;
	v4 =	vmul.bf16 v4, v12;
	v12 =	vadd.s32 v2, v16;
	v16 =	vand.u32 $0x7, v10  }
0x97: {  	v9 =	vimm.f32 $0.0e+00;
	v7 =	vadd.s32 v2, v7;
	v19 =	vld.idx.msk [tilespmem:v8+s13+$0x0], $0xffff;
	v17 =	vor.u32 v16, v12  }
0x98: {  	v20 =	vld.idx.msk [tilespmem:v15+s13+$0x0], $0xffff;
	v18 =	vmul.bf16 v3, v6;
	v6 =	vimm.f32 $0.0e+00;
	v10 =	vor.u32 v14, v7  }
0x99: {  	v3 =	vimm.f32 $0.0e+00;
	v14 =	vld.idx.msk [tilespmem:v15+s15+$0x0], $0xffff;
	v7 =	vimm.f32 $0.0e+00;
	v12 =	vimm.f32 $0.0e+00  }
0x9a: {  	v16 =	vld.idx.msk [tilespmem:v8+s15+$0x0], $0xffff;
	v8 =	vimm.f32 $0.0e+00;
	v21 =	vunpack.i.u.bf16.f32 v4;
	v22 =	vunpack.i.l.bf16.f32 v4  }
0x9b: {  	s4 =	simm.s32 $0x0;
	v15 =	vld.idx.msk [tilespmem:v11+s15+$0x0], $0xffff;
	v13 =	vmul.bf16 v13, v5;
	v5 =	vimm.f32 $0.0e+00;
	v4 =	vimm.f32 $0.0e+00  }
.LBB2_8:
0x9c: {  	s4 =	sadd.s32 $0x8, s4;
	v9 =	vadd.f32 v22, v9;
	v12 =	vadd.f32 v21, v12;
	v21 =	vld.idx.msk [tilespmem:v17+s15+$0x0], $0xffff;
	v1 =	vadd.s32 $0x8, v1  }
0x9d: {  	v25 =	vunpack.i.l.bf16.f32 v18;
	v22 =	vadd.s32 $0x6, v1;
	v23 =	vadd.s32 $0x7, v1;
	p0 =	slt.u32 s4, $0x38;
	v24 =	vld.idx.msk [tilespmem:v10+s13+$0x0], $0xffff  }
0x9e: {  	v26 =	vand.u32 $0x7, v22;
	v27 =	vand.u32 $0xFFFFFFF8, v23;
	v23 =	vand.u32 $0x7, v23;
	v17 =	vld.idx.msk [tilespmem:v17+s13+$0x0], $0xffff  }
0x9f: {  	v28 =	vunpack.i.u.bf16.f32 v18;
	v16 =	vmul.bf16 v16, v19;
	v27 =	vadd.s32 v2, v27;
	v10 =	vld.idx.msk [tilespmem:v10+s15+$0x0], $0xffff  }
0xa0: {  	v18 =	vadd.s32 $0x5, v1;
	v14 =	vmul.bf16 v14, v20;
	v19 =	vor.u32 v23, v27;
	v11 =	vld.idx.msk [tilespmem:v11+s13+$0x0], $0xffff  }
0xa1: {  	v20 =	vadd.s32 $0x4, v1;
	v23 =	vand.u32 $0xFFFFFFF8, v18;
	v27 =	vunpack.i.l.bf16.f32 v13  }
0xa2: {  	v29 =	vadd.s32 $0x3, v1;
	v30 =	vand.u32 $0xFFFFFFF8, v20;
	v31 =	vunpack.i.l.bf16.f32 v16  }
0xa3: {  	v32 =	vand.u32 $0xFFFFFFF8, v1;
	v33 =	vand.u32 $0x7, v1;
	v34 =	vunpack.i.l.bf16.f32 v14  }
0xa4: {  	v35 =	vadd.s32 $0x1, v1;
	v36 =	vadd.s32 $0x2, v1;
	v17 =	vmul.bf16 v21, v17  }
0xa5: {  	v13 =	vunpack.i.u.bf16.f32 v13;
	v21 =	vand.u32 $0xFFFFFFF8, v35;
	v35 =	vand.u32 $0x7, v35  }
0xa6: {  	v37 =	vand.u32 $0xFFFFFFF8, v29;
	v21 =	vadd.s32 v2, v21;
	v24 =	vmul.bf16 v10, v24  }
0xa7: {  	v10 =	vor.u32 v35, v21;
	v21 =	vand.u32 $0xFFFFFFF8, v36;
	v11 =	vmul.bf16 v15, v11  }
0xa8: {  	v30 =	vadd.s32 v2, v30;
	v15 =	vadd.s32 v2, v21;
	v21 =	vadd.s32 v2, v37  }
0xa9: {  	v32 =	vadd.s32 v2, v32;
	v35 =	vand.u32 $0x7, v36;
	v36 =	vunpack.i.u.bf16.f32 v17  }
0xaa: {  	v29 =	vand.u32 $0x7, v29;
	v12 =	vadd.f32 v36, v12;
	v15 =	vor.u32 v35, v15  }
0xab: {  	v32 =	vor.u32 v33, v32;
	v23 =	vadd.s32 v2, v23;
	v21 =	vor.u32 v29, v21;
	v29 =	vld.idx.msk [tilespmem:v19+s13+$0x0], $0xffff  }
0xac: {  	v22 =	vand.u32 $0xFFFFFFF8, v22;
	v18 =	vand.u32 $0x7, v18;
	v17 =	vunpack.i.l.bf16.f32 v17;
	v33 =	vld.idx.msk [tilespmem:v10+s13+$0x0], $0xffff  }
0xad: {  	v22 =	vadd.s32 v2, v22;
	v7 =	vadd.f32 v34, v7;
	v35 =	vld.idx.msk [tilespmem:v19+s15+$0x0], $0xffff;
	v19 =	vunpack.i.u.bf16.f32 v11  }
0xae: {  	v8 =	vadd.f32 v27, v8;
	v34 =	vld.idx.msk [tilespmem:v10+s15+$0x0], $0xffff;
	v10 =	vor.u32 v26, v22;
	v22 =	vunpack.i.u.bf16.f32 v16  }
0xaf: {  	v14 =	vunpack.i.u.bf16.f32 v14;
	v5 =	vadd.f32 v31, v5;
	v9 =	vadd.f32 v17, v9;
	v26 =	vld.idx.msk [tilespmem:v15+s15+$0x0], $0xffff  }
0xb0: {  	v6 =	vadd.f32 v14, v6;
	v14 =	vunpack.i.l.bf16.f32 v11;
	v16 =	vand.u32 $0x7, v20;
	v15 =	vld.idx.msk [tilespmem:v15+s13+$0x0], $0xffff  }
0xb1: {  	v5 =	vadd.f32 v25, v5;
	v7 =	vadd.f32 v14, v7;
	v11 =	vor.u32 v16, v30  }
.Ltmp2:
0xb2: {  	v4 =	vadd.f32 v13, v4;
	v17 =	vor.u32 v18, v23;
	v13 =	vunpack.i.l.bf16.f32 v24;
	v14 =	vld.idx.msk [tilespmem:v32+s15+$0x0], $0xffff;
	(pc) =	sbr.rel @p0 .LBB2_8-.Ltmp2, $4  }
0xb3: {  	v18 =	vunpack.i.u.bf16.f32 v24;
	v6 =	vadd.f32 v19, v6;
	v3 =	vadd.f32 v22, v3;
	v16 =	vld.idx.msk [tilespmem:v21+s15+$0x0], $0xffff  }
0xb4: {  	v8 =	vadd.f32 v13, v8;
	v4 =	vadd.f32 v18, v4;
	v22 =	vmul.bf16 v34, v33;
	v19 =	vld.idx.msk [tilespmem:v21+s13+$0x0], $0xffff  }
0xb5: {  	v3 =	vadd.f32 v28, v3;
	v18 =	vmul.bf16 v35, v29;
	v20 =	vld.idx.msk [tilespmem:v32+s13+$0x0], $0xffff  }
0xb6: {  	v21 =	vunpack.i.u.bf16.f32 v22;
	v22 =	vunpack.i.l.bf16.f32 v22;
	v13 =	vmul.bf16 v26, v15;
	v15 =	vld.idx.msk [tilespmem:v11+s15+$0x0], $0xffff  }
0xb7: {  	_ =	sdelay $0x3  }
0xb8: {  	v1 =	vld.idx.msk [tilespmem:v17+s15+$0x0], $0xffff  }
0xb9: {  	v2 =	vld.idx.msk [tilespmem:v17+s13+$0x0], $0xffff  }
0xba: {  	v11 =	vld.idx.msk [tilespmem:v11+s13+$0x0], $0xffff  }
0xbb: {  	v52 =	vld.idx.msk [tilespmem:v10+s13+$0x0], $0xffff;
	v9 =	vadd.f32 v22, v9;
	v12 =	vadd.f32 v21, v12;
	v54 =	vunpack.i.l.bf16.f32 v18  }
0xbc: {  	v53 =	vld.idx.msk [tilespmem:v10+s15+$0x0], $0xffff;
	v55 =	vunpack.i.l.bf16.f32 v13;
	v59 =	vunpack.i.u.bf16.f32 v13;
	v16 =	vmul.bf16 v16, v19  }
0xbd: {  	v8 =	vadd.f32 v55, v8;
	v4 =	vadd.f32 v59, v4;
	v14 =	vmul.bf16 v14, v20  }
0xbe: {  	v56 =	vunpack.i.l.bf16.f32 v16;
	v62 =	vunpack.i.u.bf16.f32 v16;
	v1 =	vmul.bf16 v1, v2  }
0xbf: {  	v2 =	vunpack.i.u.bf16.f32 v18;
	v57 =	vunpack.i.l.bf16.f32 v14;
	v11 =	vmul.bf16 v15, v11  }
0xc0: {  	v14 =	vunpack.i.u.bf16.f32 v14;
	v5 =	vadd.f32 v56, v5;
	v3 =	vadd.f32 v62, v3  }
0xc1: {  	v10 =	vmul.bf16 v53, v52;
	v7 =	vadd.f32 v57, v7;
	v6 =	vadd.f32 v14, v6  }
0xc2: {  	v58 =	vunpack.i.u.bf16.f32 v1;
	v1 =	vunpack.i.l.bf16.f32 v1;
	v60 =	vunpack.i.u.bf16.f32 v11  }
0xc3: {  	v61 =	vunpack.i.l.bf16.f32 v11;
	v5 =	vadd.f32 v54, v5;
	v2 =	vadd.f32 v2, v3  }
0xc4: {  	v63 =	vunpack.i.l.bf16.f32 v10;
	v12 =	vadd.f32 v58, v12;
	v1 =	vadd.f32 v1, v9  }
0xc5: {  	v10 =	vunpack.i.u.bf16.f32 v10;
	v7 =	vadd.f32 v61, v7;
	v6 =	vadd.f32 v60, v6  }
0xc6: {  	v8 =	vadd.f32 v63, v8;
	v4 =	vadd.f32 v10, v4  }
0xc7: {  	v2 =	vadd.f32 v2, v5;
	v3 =	vadd.f32 v6, v7  }
0xc8: {  	s31 =	sadd.s32 $0x1, s31;
	v1 =	vadd.f32 v12, v1;
	v4 =	vadd.f32 v4, v8  }
0xc9: {  	p0 =	sne.s32 s31, $0x5  }
.Ltmp3:
0xca: {  	v1 =	vadd.f32 v1, v3;
	v2 =	vadd.f32 v2, v4;
	(pc) =	sbr.rel @p0 .LBB2_7-.Ltmp3, $3  }
0xcb: {  	_ = 	snop  }
0xcc: {  	v1 =	vadd.f32 v2, v1;
	_ =	sdelay $0x1  }
0xcd: {  	[tilespmem:v0+s9+$0x0 ss:$0x1] =	vst.idx.msk $0xffff, v1  }
0xce: {  	p0 =	seq.s32 s0, $0x1E  }
0xcf: {  	s4 =	sadd.s32 @!p0 $0x190, s16;
	s9 =	simm.s32 @!p0 $0x50;
	s31 =	simm.s32 @!p0 $0x6720  }
0xd0: {  	[tilespmem:s31], [sflag:$0x2] =	stream.indirect.gather @!p0 [hbm4b:s2+s9], $0x50, s4, s9, $0xb8;
	[tilespmem:$0x13D30] =	vst v63  }
0xd1: {  	s4 =	sadd.s32 @!p0 $0x28A0, s16;
	s31 =	simm.s32 @!p0 $0xCB20  }
0xd2: {  	[tilespmem:s31], [sflag:$0x6] =	stream.indirect.gather @!p0 [hbm4b:s2+s9], $0x50, s4, s9, $0xb8;
	[tilespmem:$0x13D30] =	vst v63  }
0xd3: {  	_ =	swait.ge [sflag:s26], $0x1900  }
0xd4: {  	[sflag:s26] =	ssyncset.done $0x0  }
0xd5: {  	[sflag:s26] =	ssyncadd.s32 $0xFFFFE700  }
0xd6: {  	_ =	swait.ge [sflag:s28], $0x1900  }
0xd7: {  	s31 =	sadd.s32 $0x116C0, s18;
	[sflag:s28] =	ssyncset.done $0x0  }
0xd8: {  	s18 =	simm.s32 $0x0;
	v0 =	vmov s31;
	[sflag:s28] =	ssyncadd.s32 $0xFFFFE700  }
.LBB2_11:
0xd9: {  	s9 =	sshll.u32 s18, $0x4  }
0xda: {  	v1 =	vmov s9  }
0xdb: {  	v2 =	vmul.u32 $0x50, v1  }
0xdc: {  	v1 =	vlaneseq.u32  }
0xdd: {  	v3 =	vmul.u32 $0x50, v1;
	v2 =	vbroadcast v2, $0x0  }
0xde: {  	v4 =	vadd.s32 $0x7, v1  }
0xdf: {  	v5 =	vadd.s32 $0x1, v1;
	v2 =	vadd.s32 v3, v2;
	v3 =	vand.u32 $0xFFFFFFF8, v4  }
0xe0: {  	v6 =	vand.u32 $0xFFFFFFF8, v5;
	v4 =	vand.u32 $0x7, v4;
	v3 =	vadd.s32 v2, v3  }
0xe1: {  	v3 =	vor.u32 v4, v3;
	v4 =	vand.u32 $0x7, v5;
	v5 =	vadd.s32 v2, v6  }
0xe2: {  	v4 =	vor.u32 v4, v5;
	_ =	sdelay $0x1  }
0xe3: {  	v6 =	vadd.s32 $0x2, v1  }
0xe4: {  	v7 =	vadd.s32 $0x6, v1;
	v8 =	vadd.s32 $0x3, v1;
	v5 =	vand.u32 $0xFFFFFFF8, v6  }
0xe5: {  	v10 =	vand.u32 $0xFFFFFFF8, v1;
	v6 =	vand.u32 $0x7, v6;
	v5 =	vadd.s32 v2, v5  }
0xe6: {  	v11 =	vand.u32 $0x7, v1;
	v13 =	vand.u32 $0xFFFFFFF8, v8;
	v5 =	vor.u32 v6, v5;
	v12 =	vld.idx.msk [tilespmem:v4+s17+$0x0], $0xffff  }
0xe7: {  	v8 =	vand.u32 $0x7, v8;
	v10 =	vadd.s32 v2, v10;
	v13 =	vadd.s32 v2, v13;
	v4 =	vld.idx.msk [tilespmem:v4+s19+$0x0], $0xffff  }
0xe8: {  	v15 =	vor.u32 v11, v10;
	v11 =	vadd.s32 $0x4, v1;
	v8 =	vor.u32 v8, v13;
	v6 =	vld.idx.msk [tilespmem:v3+s17+$0x0], $0xffff  }
0xe9: {  	v14 =	vand.u32 $0x7, v7;
	v17 =	vand.u32 $0xFFFFFFF8, v11;
	v3 =	vld.idx.msk [tilespmem:v3+s19+$0x0], $0xffff  }
0xea: {  	v10 =	vadd.s32 $0x5, v1;
	v11 =	vand.u32 $0x7, v11;
	v17 =	vadd.s32 v2, v17  }
0xeb: {  	v7 =	vand.u32 $0xFFFFFFF8, v7;
	v16 =	vand.u32 $0xFFFFFFF8, v10;
	v11 =	vor.u32 v11, v17;
	v13 =	vld.idx.msk [tilespmem:v5+s19+$0x0], $0xffff  }
0xec: {  	v5 =	vld.idx.msk [tilespmem:v5+s17+$0x0], $0xffff;
	v4 =	vmul.bf16 v4, v12;
	v12 =	vadd.s32 v2, v16;
	v16 =	vand.u32 $0x7, v10  }
0xed: {  	v9 =	vimm.f32 $0.0e+00;
	v7 =	vadd.s32 v2, v7;
	v19 =	vld.idx.msk [tilespmem:v8+s17+$0x0], $0xffff;
	v17 =	vor.u32 v16, v12  }
0xee: {  	v20 =	vld.idx.msk [tilespmem:v15+s17+$0x0], $0xffff;
	v18 =	vmul.bf16 v3, v6;
	v6 =	vimm.f32 $0.0e+00;
	v10 =	vor.u32 v14, v7  }
0xef: {  	v3 =	vimm.f32 $0.0e+00;
	v14 =	vld.idx.msk [tilespmem:v15+s19+$0x0], $0xffff;
	v7 =	vimm.f32 $0.0e+00;
	v12 =	vimm.f32 $0.0e+00  }
0xf0: {  	v16 =	vld.idx.msk [tilespmem:v8+s19+$0x0], $0xffff;
	v8 =	vimm.f32 $0.0e+00;
	v21 =	vunpack.i.u.bf16.f32 v4;
	v22 =	vunpack.i.l.bf16.f32 v4  }
0xf1: {  	s4 =	simm.s32 $0x0;
	v15 =	vld.idx.msk [tilespmem:v11+s19+$0x0], $0xffff;
	v13 =	vmul.bf16 v13, v5;
	v5 =	vimm.f32 $0.0e+00;
	v4 =	vimm.f32 $0.0e+00  }
.LBB2_12:
0xf2: {  	s4 =	sadd.s32 $0x8, s4;
	v9 =	vadd.f32 v22, v9;
	v12 =	vadd.f32 v21, v12;
	v21 =	vld.idx.msk [tilespmem:v17+s19+$0x0], $0xffff;
	v1 =	vadd.s32 $0x8, v1  }
0xf3: {  	v25 =	vunpack.i.l.bf16.f32 v18;
	v22 =	vadd.s32 $0x6, v1;
	v23 =	vadd.s32 $0x7, v1;
	p1 =	slt.u32 s4, $0x38;
	v24 =	vld.idx.msk [tilespmem:v10+s17+$0x0], $0xffff  }
0xf4: {  	v26 =	vand.u32 $0x7, v22;
	v27 =	vand.u32 $0xFFFFFFF8, v23;
	v23 =	vand.u32 $0x7, v23;
	v17 =	vld.idx.msk [tilespmem:v17+s17+$0x0], $0xffff  }
0xf5: {  	v28 =	vunpack.i.u.bf16.f32 v18;
	v16 =	vmul.bf16 v16, v19;
	v27 =	vadd.s32 v2, v27;
	v10 =	vld.idx.msk [tilespmem:v10+s19+$0x0], $0xffff  }
0xf6: {  	v18 =	vadd.s32 $0x5, v1;
	v14 =	vmul.bf16 v14, v20;
	v19 =	vor.u32 v23, v27;
	v11 =	vld.idx.msk [tilespmem:v11+s17+$0x0], $0xffff  }
0xf7: {  	v20 =	vadd.s32 $0x4, v1;
	v23 =	vand.u32 $0xFFFFFFF8, v18;
	v27 =	vunpack.i.l.bf16.f32 v13  }
0xf8: {  	v29 =	vadd.s32 $0x3, v1;
	v30 =	vand.u32 $0xFFFFFFF8, v20;
	v31 =	vunpack.i.l.bf16.f32 v16  }
0xf9: {  	v32 =	vand.u32 $0xFFFFFFF8, v1;
	v33 =	vand.u32 $0x7, v1;
	v34 =	vunpack.i.l.bf16.f32 v14  }
0xfa: {  	v35 =	vadd.s32 $0x1, v1;
	v36 =	vadd.s32 $0x2, v1;
	v17 =	vmul.bf16 v21, v17  }
0xfb: {  	v13 =	vunpack.i.u.bf16.f32 v13;
	v21 =	vand.u32 $0xFFFFFFF8, v35;
	v35 =	vand.u32 $0x7, v35  }
0xfc: {  	v37 =	vand.u32 $0xFFFFFFF8, v29;
	v21 =	vadd.s32 v2, v21;
	v24 =	vmul.bf16 v10, v24  }
0xfd: {  	v10 =	vor.u32 v35, v21;
	v21 =	vand.u32 $0xFFFFFFF8, v36;
	v11 =	vmul.bf16 v15, v11  }
0xfe: {  	v30 =	vadd.s32 v2, v30;
	v15 =	vadd.s32 v2, v21;
	v21 =	vadd.s32 v2, v37  }
0xff: {  	v32 =	vadd.s32 v2, v32;
	v35 =	vand.u32 $0x7, v36;
	v36 =	vunpack.i.u.bf16.f32 v17  }
0x100: {  	v29 =	vand.u32 $0x7, v29;
	v12 =	vadd.f32 v36, v12;
	v15 =	vor.u32 v35, v15  }
0x101: {  	v32 =	vor.u32 v33, v32;
	v23 =	vadd.s32 v2, v23;
	v21 =	vor.u32 v29, v21;
	v29 =	vld.idx.msk [tilespmem:v19+s17+$0x0], $0xffff  }
0x102: {  	v22 =	vand.u32 $0xFFFFFFF8, v22;
	v18 =	vand.u32 $0x7, v18;
	v17 =	vunpack.i.l.bf16.f32 v17;
	v33 =	vld.idx.msk [tilespmem:v10+s17+$0x0], $0xffff  }
0x103: {  	v22 =	vadd.s32 v2, v22;
	v7 =	vadd.f32 v34, v7;
	v35 =	vld.idx.msk [tilespmem:v19+s19+$0x0], $0xffff;
	v19 =	vunpack.i.u.bf16.f32 v11  }
0x104: {  	v8 =	vadd.f32 v27, v8;
	v34 =	vld.idx.msk [tilespmem:v10+s19+$0x0], $0xffff;
	v10 =	vor.u32 v26, v22;
	v22 =	vunpack.i.u.bf16.f32 v16  }
0x105: {  	v14 =	vunpack.i.u.bf16.f32 v14;
	v5 =	vadd.f32 v31, v5;
	v9 =	vadd.f32 v17, v9;
	v26 =	vld.idx.msk [tilespmem:v15+s19+$0x0], $0xffff  }
0x106: {  	v6 =	vadd.f32 v14, v6;
	v14 =	vunpack.i.l.bf16.f32 v11;
	v16 =	vand.u32 $0x7, v20;
	v15 =	vld.idx.msk [tilespmem:v15+s17+$0x0], $0xffff  }
0x107: {  	v5 =	vadd.f32 v25, v5;
	v7 =	vadd.f32 v14, v7;
	v11 =	vor.u32 v16, v30  }
.Ltmp4:
0x108: {  	v4 =	vadd.f32 v13, v4;
	v17 =	vor.u32 v18, v23;
	v13 =	vunpack.i.l.bf16.f32 v24;
	v14 =	vld.idx.msk [tilespmem:v32+s19+$0x0], $0xffff;
	(pc) =	sbr.rel @p1 .LBB2_12-.Ltmp4, $4  }
0x109: {  	v18 =	vunpack.i.u.bf16.f32 v24;
	v6 =	vadd.f32 v19, v6;
	v3 =	vadd.f32 v22, v3;
	v16 =	vld.idx.msk [tilespmem:v21+s19+$0x0], $0xffff  }
0x10a: {  	v8 =	vadd.f32 v13, v8;
	v4 =	vadd.f32 v18, v4;
	v22 =	vmul.bf16 v34, v33;
	v19 =	vld.idx.msk [tilespmem:v21+s17+$0x0], $0xffff  }
0x10b: {  	v3 =	vadd.f32 v28, v3;
	v18 =	vmul.bf16 v35, v29;
	v20 =	vld.idx.msk [tilespmem:v32+s17+$0x0], $0xffff  }
0x10c: {  	v21 =	vunpack.i.u.bf16.f32 v22;
	v22 =	vunpack.i.l.bf16.f32 v22;
	v13 =	vmul.bf16 v26, v15;
	v15 =	vld.idx.msk [tilespmem:v11+s19+$0x0], $0xffff  }
0x10d: {  	_ =	sdelay $0x3  }
0x10e: {  	v1 =	vld.idx.msk [tilespmem:v17+s19+$0x0], $0xffff  }
0x10f: {  	v2 =	vld.idx.msk [tilespmem:v17+s17+$0x0], $0xffff  }
0x110: {  	v11 =	vld.idx.msk [tilespmem:v11+s17+$0x0], $0xffff  }
0x111: {  	v52 =	vld.idx.msk [tilespmem:v10+s17+$0x0], $0xffff;
	v9 =	vadd.f32 v22, v9;
	v12 =	vadd.f32 v21, v12;
	v54 =	vunpack.i.l.bf16.f32 v18  }
0x112: {  	v53 =	vld.idx.msk [tilespmem:v10+s19+$0x0], $0xffff;
	v55 =	vunpack.i.l.bf16.f32 v13;
	v59 =	vunpack.i.u.bf16.f32 v13;
	v16 =	vmul.bf16 v16, v19  }
0x113: {  	v8 =	vadd.f32 v55, v8;
	v4 =	vadd.f32 v59, v4;
	v14 =	vmul.bf16 v14, v20  }
0x114: {  	v56 =	vunpack.i.l.bf16.f32 v16;
	v62 =	vunpack.i.u.bf16.f32 v16;
	v1 =	vmul.bf16 v1, v2  }
0x115: {  	v2 =	vunpack.i.u.bf16.f32 v18;
	v57 =	vunpack.i.l.bf16.f32 v14;
	v11 =	vmul.bf16 v15, v11  }
0x116: {  	v14 =	vunpack.i.u.bf16.f32 v14;
	v5 =	vadd.f32 v56, v5;
	v3 =	vadd.f32 v62, v3  }
0x117: {  	v10 =	vmul.bf16 v53, v52;
	v7 =	vadd.f32 v57, v7;
	v6 =	vadd.f32 v14, v6  }
0x118: {  	v58 =	vunpack.i.u.bf16.f32 v1;
	v1 =	vunpack.i.l.bf16.f32 v1;
	v60 =	vunpack.i.u.bf16.f32 v11  }
0x119: {  	v61 =	vunpack.i.l.bf16.f32 v11;
	v5 =	vadd.f32 v54, v5;
	v2 =	vadd.f32 v2, v3  }
0x11a: {  	v63 =	vunpack.i.l.bf16.f32 v10;
	v12 =	vadd.f32 v58, v12;
	v1 =	vadd.f32 v1, v9  }
0x11b: {  	v10 =	vunpack.i.u.bf16.f32 v10;
	v7 =	vadd.f32 v61, v7;
	v6 =	vadd.f32 v60, v6  }
0x11c: {  	v8 =	vadd.f32 v63, v8;
	v4 =	vadd.f32 v10, v4  }
0x11d: {  	v2 =	vadd.f32 v2, v5;
	v3 =	vadd.f32 v6, v7  }
0x11e: {  	s18 =	sadd.s32 $0x1, s18;
	v1 =	vadd.f32 v12, v1;
	v4 =	vadd.f32 v4, v8  }
0x11f: {  	p1 =	sne.s32 s18, $0x5  }
.Ltmp5:
0x120: {  	v1 =	vadd.f32 v1, v3;
	v2 =	vadd.f32 v2, v4;
	(pc) =	sbr.rel @p1 .LBB2_11-.Ltmp5, $3  }
0x121: {  	_ = 	snop  }
0x122: {  	v1 =	vadd.f32 v2, v1;
	_ =	sdelay $0x1  }
0x123: {  	[tilespmem:v0+s9+$0x0 ss:$0x1] =	vst.idx.msk $0xffff, v1  }
0x124: {  	s4 =	sadd.s32 @!p0 $0x1E0, s16;
	s9 =	simm.s32 @!p0 $0x50;
	s18 =	simm.s32 @!p0 $0x8020  }
0x125: {  	[tilespmem:s18], [sflag:$0x3] =	stream.indirect.gather @!p0 [hbm4b:s2+s9], $0x50, s4, s9, $0xb8;
	[tilespmem:$0x13D30] =	vst v63  }
0x126: {  	s4 =	sadd.s32 @!p0 $0x28F0, s16;
	s16 =	simm.s32 @!p0 $0xE420  }
0x127: {  	[tilespmem:s16], [sflag:$0x7] =	stream.indirect.gather @!p0 [hbm4b:s2+s9], $0x50, s4, s9, $0xb8;
	[tilespmem:$0x13D30] =	vst v63  }
0x128: {  	_ =	swait.ge [sflag:s29], $0x1900  }
0x129: {  	s31 =	smul.u32 $0x140, s14;
	[sflag:s29] =	ssyncset.done $0x0  }
0x12a: {  	[sflag:s29] =	ssyncadd.s32 $0xFFFFE700  }
0x12b: {  	s4 =	sshra.s32 s31, $0x2;
	_ =	swait.ge [sflag:s30], $0x1900  }
0x12c: {  	s4 =	sadd.s32 $0x11620, s4;
	[sflag:s30] =	ssyncset.done $0x0  }
0x12d: {  	s14 =	simm.s32 $0x0;
	v0 =	vmov s4;
	[sflag:s30] =	ssyncadd.s32 $0xFFFFE700  }
.LBB2_15:
0x12e: {  	s9 =	sshll.u32 s14, $0x4  }
0x12f: {  	v1 =	vmov s9  }
0x130: {  	v2 =	vmul.u32 $0x50, v1  }
0x131: {  	v1 =	vlaneseq.u32  }
0x132: {  	v3 =	vmul.u32 $0x50, v1;
	v2 =	vbroadcast v2, $0x0  }
0x133: {  	v4 =	vadd.s32 $0x7, v1  }
0x134: {  	v5 =	vadd.s32 $0x1, v1;
	v2 =	vadd.s32 v3, v2;
	v3 =	vand.u32 $0xFFFFFFF8, v4  }
0x135: {  	v6 =	vand.u32 $0xFFFFFFF8, v5;
	v4 =	vand.u32 $0x7, v4;
	v3 =	vadd.s32 v2, v3  }
0x136: {  	v3 =	vor.u32 v4, v3;
	v4 =	vand.u32 $0x7, v5;
	v5 =	vadd.s32 v2, v6  }
0x137: {  	v4 =	vor.u32 v4, v5;
	_ =	sdelay $0x1  }
0x138: {  	v6 =	vadd.s32 $0x2, v1  }
0x139: {  	v7 =	vadd.s32 $0x6, v1;
	v8 =	vadd.s32 $0x3, v1;
	v5 =	vand.u32 $0xFFFFFFF8, v6  }
0x13a: {  	v10 =	vand.u32 $0xFFFFFFF8, v1;
	v6 =	vand.u32 $0x7, v6;
	v5 =	vadd.s32 v2, v5  }
0x13b: {  	v11 =	vand.u32 $0x7, v1;
	v13 =	vand.u32 $0xFFFFFFF8, v8;
	v5 =	vor.u32 v6, v5;
	v12 =	vld.idx.msk [tilespmem:v4+s20+$0x0], $0xffff  }
0x13c: {  	v8 =	vand.u32 $0x7, v8;
	v10 =	vadd.s32 v2, v10;
	v13 =	vadd.s32 v2, v13;
	v4 =	vld.idx.msk [tilespmem:v4+s21+$0x0], $0xffff  }
0x13d: {  	v15 =	vor.u32 v11, v10;
	v11 =	vadd.s32 $0x4, v1;
	v8 =	vor.u32 v8, v13;
	v6 =	vld.idx.msk [tilespmem:v3+s20+$0x0], $0xffff  }
0x13e: {  	v14 =	vand.u32 $0x7, v7;
	v17 =	vand.u32 $0xFFFFFFF8, v11;
	v3 =	vld.idx.msk [tilespmem:v3+s21+$0x0], $0xffff  }
0x13f: {  	v10 =	vadd.s32 $0x5, v1;
	v11 =	vand.u32 $0x7, v11;
	v17 =	vadd.s32 v2, v17  }
0x140: {  	v7 =	vand.u32 $0xFFFFFFF8, v7;
	v16 =	vand.u32 $0xFFFFFFF8, v10;
	v11 =	vor.u32 v11, v17;
	v13 =	vld.idx.msk [tilespmem:v5+s21+$0x0], $0xffff  }
0x141: {  	v5 =	vld.idx.msk [tilespmem:v5+s20+$0x0], $0xffff;
	v4 =	vmul.bf16 v4, v12;
	v12 =	vadd.s32 v2, v16;
	v16 =	vand.u32 $0x7, v10  }
0x142: {  	v9 =	vimm.f32 $0.0e+00;
	v7 =	vadd.s32 v2, v7;
	v19 =	vld.idx.msk [tilespmem:v8+s20+$0x0], $0xffff;
	v17 =	vor.u32 v16, v12  }
0x143: {  	v20 =	vld.idx.msk [tilespmem:v15+s20+$0x0], $0xffff;
	v18 =	vmul.bf16 v3, v6;
	v6 =	vimm.f32 $0.0e+00;
	v10 =	vor.u32 v14, v7  }
0x144: {  	v3 =	vimm.f32 $0.0e+00;
	v14 =	vld.idx.msk [tilespmem:v15+s21+$0x0], $0xffff;
	v7 =	vimm.f32 $0.0e+00;
	v12 =	vimm.f32 $0.0e+00  }
0x145: {  	v16 =	vld.idx.msk [tilespmem:v8+s21+$0x0], $0xffff;
	v8 =	vimm.f32 $0.0e+00;
	v21 =	vunpack.i.u.bf16.f32 v4;
	v22 =	vunpack.i.l.bf16.f32 v4  }
0x146: {  	s4 =	simm.s32 $0x0;
	v15 =	vld.idx.msk [tilespmem:v11+s21+$0x0], $0xffff;
	v13 =	vmul.bf16 v13, v5;
	v5 =	vimm.f32 $0.0e+00;
	v4 =	vimm.f32 $0.0e+00  }
.LBB2_16:
0x147: {  	s4 =	sadd.s32 $0x8, s4;
	v9 =	vadd.f32 v22, v9;
	v12 =	vadd.f32 v21, v12;
	v21 =	vld.idx.msk [tilespmem:v17+s21+$0x0], $0xffff;
	v1 =	vadd.s32 $0x8, v1  }
0x148: {  	v25 =	vunpack.i.l.bf16.f32 v18;
	v22 =	vadd.s32 $0x6, v1;
	v23 =	vadd.s32 $0x7, v1;
	p0 =	slt.u32 s4, $0x38;
	v24 =	vld.idx.msk [tilespmem:v10+s20+$0x0], $0xffff  }
0x149: {  	v26 =	vand.u32 $0x7, v22;
	v27 =	vand.u32 $0xFFFFFFF8, v23;
	v23 =	vand.u32 $0x7, v23;
	v17 =	vld.idx.msk [tilespmem:v17+s20+$0x0], $0xffff  }
0x14a: {  	v28 =	vunpack.i.u.bf16.f32 v18;
	v16 =	vmul.bf16 v16, v19;
	v27 =	vadd.s32 v2, v27;
	v10 =	vld.idx.msk [tilespmem:v10+s21+$0x0], $0xffff  }
0x14b: {  	v18 =	vadd.s32 $0x5, v1;
	v14 =	vmul.bf16 v14, v20;
	v19 =	vor.u32 v23, v27;
	v11 =	vld.idx.msk [tilespmem:v11+s20+$0x0], $0xffff  }
0x14c: {  	v20 =	vadd.s32 $0x4, v1;
	v23 =	vand.u32 $0xFFFFFFF8, v18;
	v27 =	vunpack.i.l.bf16.f32 v13  }
0x14d: {  	v29 =	vadd.s32 $0x3, v1;
	v30 =	vand.u32 $0xFFFFFFF8, v20;
	v31 =	vunpack.i.l.bf16.f32 v16  }
0x14e: {  	v32 =	vand.u32 $0xFFFFFFF8, v1;
	v33 =	vand.u32 $0x7, v1;
	v34 =	vunpack.i.l.bf16.f32 v14  }
0x14f: {  	v35 =	vadd.s32 $0x1, v1;
	v36 =	vadd.s32 $0x2, v1;
	v17 =	vmul.bf16 v21, v17  }
0x150: {  	v13 =	vunpack.i.u.bf16.f32 v13;
	v21 =	vand.u32 $0xFFFFFFF8, v35;
	v35 =	vand.u32 $0x7, v35  }
0x151: {  	v37 =	vand.u32 $0xFFFFFFF8, v29;
	v21 =	vadd.s32 v2, v21;
	v24 =	vmul.bf16 v10, v24  }
0x152: {  	v10 =	vor.u32 v35, v21;
	v21 =	vand.u32 $0xFFFFFFF8, v36;
	v11 =	vmul.bf16 v15, v11  }
0x153: {  	v30 =	vadd.s32 v2, v30;
	v15 =	vadd.s32 v2, v21;
	v21 =	vadd.s32 v2, v37  }
0x154: {  	v32 =	vadd.s32 v2, v32;
	v35 =	vand.u32 $0x7, v36;
	v36 =	vunpack.i.u.bf16.f32 v17  }
0x155: {  	v29 =	vand.u32 $0x7, v29;
	v12 =	vadd.f32 v36, v12;
	v15 =	vor.u32 v35, v15  }
0x156: {  	v32 =	vor.u32 v33, v32;
	v23 =	vadd.s32 v2, v23;
	v21 =	vor.u32 v29, v21;
	v29 =	vld.idx.msk [tilespmem:v19+s20+$0x0], $0xffff  }
0x157: {  	v22 =	vand.u32 $0xFFFFFFF8, v22;
	v18 =	vand.u32 $0x7, v18;
	v17 =	vunpack.i.l.bf16.f32 v17;
	v33 =	vld.idx.msk [tilespmem:v10+s20+$0x0], $0xffff  }
0x158: {  	v22 =	vadd.s32 v2, v22;
	v7 =	vadd.f32 v34, v7;
	v35 =	vld.idx.msk [tilespmem:v19+s21+$0x0], $0xffff;
	v19 =	vunpack.i.u.bf16.f32 v11  }
0x159: {  	v8 =	vadd.f32 v27, v8;
	v34 =	vld.idx.msk [tilespmem:v10+s21+$0x0], $0xffff;
	v10 =	vor.u32 v26, v22;
	v22 =	vunpack.i.u.bf16.f32 v16  }
0x15a: {  	v14 =	vunpack.i.u.bf16.f32 v14;
	v5 =	vadd.f32 v31, v5;
	v9 =	vadd.f32 v17, v9;
	v26 =	vld.idx.msk [tilespmem:v15+s21+$0x0], $0xffff  }
0x15b: {  	v6 =	vadd.f32 v14, v6;
	v14 =	vunpack.i.l.bf16.f32 v11;
	v16 =	vand.u32 $0x7, v20;
	v15 =	vld.idx.msk [tilespmem:v15+s20+$0x0], $0xffff  }
0x15c: {  	v5 =	vadd.f32 v25, v5;
	v7 =	vadd.f32 v14, v7;
	v11 =	vor.u32 v16, v30  }
.Ltmp6:
0x15d: {  	v4 =	vadd.f32 v13, v4;
	v17 =	vor.u32 v18, v23;
	v13 =	vunpack.i.l.bf16.f32 v24;
	v14 =	vld.idx.msk [tilespmem:v32+s21+$0x0], $0xffff;
	(pc) =	sbr.rel @p0 .LBB2_16-.Ltmp6, $4  }
0x15e: {  	v18 =	vunpack.i.u.bf16.f32 v24;
	v6 =	vadd.f32 v19, v6;
	v3 =	vadd.f32 v22, v3;
	v16 =	vld.idx.msk [tilespmem:v21+s21+$0x0], $0xffff  }
0x15f: {  	v8 =	vadd.f32 v13, v8;
	v4 =	vadd.f32 v18, v4;
	v22 =	vmul.bf16 v34, v33;
	v19 =	vld.idx.msk [tilespmem:v21+s20+$0x0], $0xffff  }
0x160: {  	v3 =	vadd.f32 v28, v3;
	v18 =	vmul.bf16 v35, v29;
	v20 =	vld.idx.msk [tilespmem:v32+s20+$0x0], $0xffff  }
0x161: {  	v21 =	vunpack.i.u.bf16.f32 v22;
	v22 =	vunpack.i.l.bf16.f32 v22;
	v13 =	vmul.bf16 v26, v15;
	v15 =	vld.idx.msk [tilespmem:v11+s21+$0x0], $0xffff  }
0x162: {  	_ =	sdelay $0x3  }
0x163: {  	v1 =	vld.idx.msk [tilespmem:v17+s21+$0x0], $0xffff  }
0x164: {  	v2 =	vld.idx.msk [tilespmem:v17+s20+$0x0], $0xffff  }
0x165: {  	v11 =	vld.idx.msk [tilespmem:v11+s20+$0x0], $0xffff  }
0x166: {  	v52 =	vld.idx.msk [tilespmem:v10+s20+$0x0], $0xffff;
	v9 =	vadd.f32 v22, v9;
	v12 =	vadd.f32 v21, v12;
	v54 =	vunpack.i.l.bf16.f32 v18  }
0x167: {  	v53 =	vld.idx.msk [tilespmem:v10+s21+$0x0], $0xffff;
	v55 =	vunpack.i.l.bf16.f32 v13;
	v59 =	vunpack.i.u.bf16.f32 v13;
	v16 =	vmul.bf16 v16, v19  }
0x168: {  	v8 =	vadd.f32 v55, v8;
	v4 =	vadd.f32 v59, v4;
	v14 =	vmul.bf16 v14, v20  }
0x169: {  	v56 =	vunpack.i.l.bf16.f32 v16;
	v62 =	vunpack.i.u.bf16.f32 v16;
	v1 =	vmul.bf16 v1, v2  }
0x16a: {  	v2 =	vunpack.i.u.bf16.f32 v18;
	v57 =	vunpack.i.l.bf16.f32 v14;
	v11 =	vmul.bf16 v15, v11  }
0x16b: {  	v14 =	vunpack.i.u.bf16.f32 v14;
	v5 =	vadd.f32 v56, v5;
	v3 =	vadd.f32 v62, v3  }
0x16c: {  	v10 =	vmul.bf16 v53, v52;
	v7 =	vadd.f32 v57, v7;
	v6 =	vadd.f32 v14, v6  }
0x16d: {  	v58 =	vunpack.i.u.bf16.f32 v1;
	v1 =	vunpack.i.l.bf16.f32 v1;
	v60 =	vunpack.i.u.bf16.f32 v11  }
0x16e: {  	v61 =	vunpack.i.l.bf16.f32 v11;
	v5 =	vadd.f32 v54, v5;
	v2 =	vadd.f32 v2, v3  }
0x16f: {  	v63 =	vunpack.i.l.bf16.f32 v10;
	v12 =	vadd.f32 v58, v12;
	v1 =	vadd.f32 v1, v9  }
0x170: {  	v10 =	vunpack.i.u.bf16.f32 v10;
	v7 =	vadd.f32 v61, v7;
	v6 =	vadd.f32 v60, v6  }
0x171: {  	v8 =	vadd.f32 v63, v8;
	v4 =	vadd.f32 v10, v4  }
0x172: {  	v2 =	vadd.f32 v2, v5;
	v3 =	vadd.f32 v6, v7  }
0x173: {  	s14 =	sadd.s32 $0x1, s14;
	v1 =	vadd.f32 v12, v1;
	v4 =	vadd.f32 v4, v8  }
0x174: {  	p0 =	sne.s32 s14, $0x5  }
.Ltmp7:
0x175: {  	v1 =	vadd.f32 v1, v3;
	v2 =	vadd.f32 v2, v4;
	(pc) =	sbr.rel @p0 .LBB2_15-.Ltmp7, $3  }
0x176: {  	_ = 	snop  }
0x177: {  	v1 =	vadd.f32 v2, v1;
	_ =	sdelay $0x1  }
0x178: {  	[tilespmem:v0+s9+$0x0 ss:$0x1] =	vst.idx.msk $0xffff, v1  }
0x179: {  	s0 =	sadd.s32 $0x1, s0  }
0x17a: {  	p0 =	sne.s32 s0, $0x1F  }
.Ltmp8:
0x17b: {  	_ = 	snop;
	(pc) =	sbr.rel @p0 .LBB2_2-.Ltmp8, $1  }
0x17c: {  	_ =	sdelay $0x3  }
0x17d: {  	_ =	swait.ge [sflag:s22], $0x1900  }
0x17e: {  	[sflag:s22] =	ssyncset.done $0x0  }
0x17f: {  	[sflag:s22] =	ssyncadd.s32 $0xFFFFE700  }
0x180: {  	_ =	swait.ge [sflag:s23], $0x1900  }
0x181: {  	[sflag:s23] =	ssyncset.done $0x0  }
0x182: {  	s0 =	simm.s32 $0x0;
	[sflag:s23] =	ssyncadd.s32 $0xFFFFE700  }
.LBB2_20:
0x183: {  	s9 =	sshll.u32 s0, $0x4  }
0x184: {  	v0 =	vmov s9  }
0x185: {  	v1 =	vmul.u32 $0x50, v0  }
0x186: {  	v0 =	vlaneseq.u32  }
0x187: {  	v2 =	vmul.u32 $0x50, v0;
	v1 =	vbroadcast v1, $0x0  }
0x188: {  	v3 =	vadd.s32 $0x7, v0  }
0x189: {  	v4 =	vadd.s32 $0x1, v0;
	v1 =	vadd.s32 v2, v1;
	v2 =	vand.u32 $0xFFFFFFF8, v3  }
0x18a: {  	v5 =	vand.u32 $0xFFFFFFF8, v4;
	v3 =	vand.u32 $0x7, v3;
	v2 =	vadd.s32 v1, v2  }
0x18b: {  	v2 =	vor.u32 v3, v2;
	v3 =	vand.u32 $0x7, v4;
	v4 =	vadd.s32 v1, v5  }
0x18c: {  	v3 =	vor.u32 v3, v4;
	_ =	sdelay $0x1  }
0x18d: {  	v5 =	vadd.s32 $0x2, v0  }
0x18e: {  	v6 =	vadd.s32 $0x6, v0;
	v7 =	vadd.s32 $0x3, v0;
	v4 =	vand.u32 $0xFFFFFFF8, v5  }
0x18f: {  	v9 =	vand.u32 $0xFFFFFFF8, v0;
	v5 =	vand.u32 $0x7, v5;
	v4 =	vadd.s32 v1, v4  }
0x190: {  	v10 =	vand.u32 $0x7, v0;
	v12 =	vand.u32 $0xFFFFFFF8, v7;
	v4 =	vor.u32 v5, v4;
	v11 =	vld.idx.msk [tilespmem:v3+s11+$0x0], $0xffff  }
0x191: {  	v7 =	vand.u32 $0x7, v7;
	v9 =	vadd.s32 v1, v9;
	v12 =	vadd.s32 v1, v12;
	v3 =	vld.idx.msk [tilespmem:v3+s12+$0x0], $0xffff  }
0x192: {  	v14 =	vor.u32 v10, v9;
	v10 =	vadd.s32 $0x4, v0;
	v7 =	vor.u32 v7, v12;
	v5 =	vld.idx.msk [tilespmem:v2+s11+$0x0], $0xffff  }
0x193: {  	v13 =	vand.u32 $0x7, v6;
	v16 =	vand.u32 $0xFFFFFFF8, v10;
	v2 =	vld.idx.msk [tilespmem:v2+s12+$0x0], $0xffff  }
0x194: {  	v9 =	vadd.s32 $0x5, v0;
	v10 =	vand.u32 $0x7, v10;
	v16 =	vadd.s32 v1, v16  }
0x195: {  	v6 =	vand.u32 $0xFFFFFFF8, v6;
	v15 =	vand.u32 $0xFFFFFFF8, v9;
	v10 =	vor.u32 v10, v16;
	v12 =	vld.idx.msk [tilespmem:v4+s12+$0x0], $0xffff  }
0x196: {  	v4 =	vld.idx.msk [tilespmem:v4+s11+$0x0], $0xffff;
	v3 =	vmul.bf16 v3, v11;
	v11 =	vadd.s32 v1, v15;
	v15 =	vand.u32 $0x7, v9  }
0x197: {  	v8 =	vimm.f32 $0.0e+00;
	v6 =	vadd.s32 v1, v6;
	v18 =	vld.idx.msk [tilespmem:v7+s11+$0x0], $0xffff;
	v16 =	vor.u32 v15, v11  }
0x198: {  	v19 =	vld.idx.msk [tilespmem:v14+s11+$0x0], $0xffff;
	v17 =	vmul.bf16 v2, v5;
	v5 =	vimm.f32 $0.0e+00;
	v9 =	vor.u32 v13, v6  }
0x199: {  	v2 =	vimm.f32 $0.0e+00;
	v13 =	vld.idx.msk [tilespmem:v14+s12+$0x0], $0xffff;
	v6 =	vimm.f32 $0.0e+00;
	v11 =	vimm.f32 $0.0e+00  }
0x19a: {  	v15 =	vld.idx.msk [tilespmem:v7+s12+$0x0], $0xffff;
	v7 =	vimm.f32 $0.0e+00;
	v20 =	vunpack.i.u.bf16.f32 v3;
	v21 =	vunpack.i.l.bf16.f32 v3  }
0x19b: {  	s4 =	simm.s32 $0x0;
	v14 =	vld.idx.msk [tilespmem:v10+s12+$0x0], $0xffff;
	v12 =	vmul.bf16 v12, v4;
	v4 =	vimm.f32 $0.0e+00;
	v3 =	vimm.f32 $0.0e+00  }
.LBB2_21:
0x19c: {  	s4 =	sadd.s32 $0x8, s4;
	v8 =	vadd.f32 v21, v8;
	v11 =	vadd.f32 v20, v11;
	v20 =	vld.idx.msk [tilespmem:v16+s12+$0x0], $0xffff;
	v0 =	vadd.s32 $0x8, v0  }
0x19d: {  	v24 =	vunpack.i.l.bf16.f32 v17;
	v21 =	vadd.s32 $0x6, v0;
	v22 =	vadd.s32 $0x7, v0;
	p0 =	slt.u32 s4, $0x38;
	v23 =	vld.idx.msk [tilespmem:v9+s11+$0x0], $0xffff  }
0x19e: {  	v25 =	vand.u32 $0x7, v21;
	v26 =	vand.u32 $0xFFFFFFF8, v22;
	v22 =	vand.u32 $0x7, v22;
	v16 =	vld.idx.msk [tilespmem:v16+s11+$0x0], $0xffff  }
0x19f: {  	v27 =	vunpack.i.u.bf16.f32 v17;
	v15 =	vmul.bf16 v15, v18;
	v26 =	vadd.s32 v1, v26;
	v9 =	vld.idx.msk [tilespmem:v9+s12+$0x0], $0xffff  }
0x1a0: {  	v17 =	vadd.s32 $0x5, v0;
	v13 =	vmul.bf16 v13, v19;
	v18 =	vor.u32 v22, v26;
	v10 =	vld.idx.msk [tilespmem:v10+s11+$0x0], $0xffff  }
0x1a1: {  	v19 =	vadd.s32 $0x4, v0;
	v22 =	vand.u32 $0xFFFFFFF8, v17;
	v26 =	vunpack.i.l.bf16.f32 v12  }
0x1a2: {  	v28 =	vadd.s32 $0x3, v0;
	v29 =	vand.u32 $0xFFFFFFF8, v19;
	v30 =	vunpack.i.l.bf16.f32 v15  }
0x1a3: {  	v31 =	vand.u32 $0xFFFFFFF8, v0;
	v32 =	vand.u32 $0x7, v0;
	v33 =	vunpack.i.l.bf16.f32 v13  }
0x1a4: {  	v34 =	vadd.s32 $0x1, v0;
	v35 =	vadd.s32 $0x2, v0;
	v16 =	vmul.bf16 v20, v16  }
0x1a5: {  	v12 =	vunpack.i.u.bf16.f32 v12;
	v20 =	vand.u32 $0xFFFFFFF8, v34;
	v34 =	vand.u32 $0x7, v34  }
0x1a6: {  	v36 =	vand.u32 $0xFFFFFFF8, v28;
	v20 =	vadd.s32 v1, v20;
	v23 =	vmul.bf16 v9, v23  }
0x1a7: {  	v9 =	vor.u32 v34, v20;
	v20 =	vand.u32 $0xFFFFFFF8, v35;
	v10 =	vmul.bf16 v14, v10  }
0x1a8: {  	v29 =	vadd.s32 v1, v29;
	v14 =	vadd.s32 v1, v20;
	v20 =	vadd.s32 v1, v36  }
0x1a9: {  	v31 =	vadd.s32 v1, v31;
	v34 =	vand.u32 $0x7, v35;
	v35 =	vunpack.i.u.bf16.f32 v16  }
0x1aa: {  	v28 =	vand.u32 $0x7, v28;
	v11 =	vadd.f32 v35, v11;
	v14 =	vor.u32 v34, v14  }
0x1ab: {  	v31 =	vor.u32 v32, v31;
	v22 =	vadd.s32 v1, v22;
	v20 =	vor.u32 v28, v20;
	v28 =	vld.idx.msk [tilespmem:v18+s11+$0x0], $0xffff  }
0x1ac: {  	v21 =	vand.u32 $0xFFFFFFF8, v21;
	v17 =	vand.u32 $0x7, v17;
	v16 =	vunpack.i.l.bf16.f32 v16;
	v32 =	vld.idx.msk [tilespmem:v9+s11+$0x0], $0xffff  }
0x1ad: {  	v21 =	vadd.s32 v1, v21;
	v6 =	vadd.f32 v33, v6;
	v34 =	vld.idx.msk [tilespmem:v18+s12+$0x0], $0xffff;
	v18 =	vunpack.i.u.bf16.f32 v10  }
0x1ae: {  	v7 =	vadd.f32 v26, v7;
	v33 =	vld.idx.msk [tilespmem:v9+s12+$0x0], $0xffff;
	v9 =	vor.u32 v25, v21;
	v21 =	vunpack.i.u.bf16.f32 v15  }
0x1af: {  	v13 =	vunpack.i.u.bf16.f32 v13;
	v4 =	vadd.f32 v30, v4;
	v8 =	vadd.f32 v16, v8;
	v25 =	vld.idx.msk [tilespmem:v14+s12+$0x0], $0xffff  }
0x1b0: {  	v5 =	vadd.f32 v13, v5;
	v13 =	vunpack.i.l.bf16.f32 v10;
	v15 =	vand.u32 $0x7, v19;
	v14 =	vld.idx.msk [tilespmem:v14+s11+$0x0], $0xffff  }
0x1b1: {  	v4 =	vadd.f32 v24, v4;
	v6 =	vadd.f32 v13, v6;
	v10 =	vor.u32 v15, v29  }
.Ltmp9:
0x1b2: {  	v3 =	vadd.f32 v12, v3;
	v16 =	vor.u32 v17, v22;
	v12 =	vunpack.i.l.bf16.f32 v23;
	v13 =	vld.idx.msk [tilespmem:v31+s12+$0x0], $0xffff;
	(pc) =	sbr.rel @p0 .LBB2_21-.Ltmp9, $4  }
0x1b3: {  	v17 =	vunpack.i.u.bf16.f32 v23;
	v5 =	vadd.f32 v18, v5;
	v2 =	vadd.f32 v21, v2;
	v15 =	vld.idx.msk [tilespmem:v20+s12+$0x0], $0xffff  }
0x1b4: {  	v7 =	vadd.f32 v12, v7;
	v3 =	vadd.f32 v17, v3;
	v21 =	vmul.bf16 v33, v32;
	v18 =	vld.idx.msk [tilespmem:v20+s11+$0x0], $0xffff  }
0x1b5: {  	v2 =	vadd.f32 v27, v2;
	v17 =	vmul.bf16 v34, v28;
	v19 =	vld.idx.msk [tilespmem:v31+s11+$0x0], $0xffff  }
0x1b6: {  	v20 =	vunpack.i.u.bf16.f32 v21;
	v21 =	vunpack.i.l.bf16.f32 v21;
	v12 =	vmul.bf16 v25, v14;
	v14 =	vld.idx.msk [tilespmem:v10+s12+$0x0], $0xffff  }
0x1b7: {  	_ =	sdelay $0x3  }
0x1b8: {  	v0 =	vld.idx.msk [tilespmem:v16+s12+$0x0], $0xffff  }
0x1b9: {  	v1 =	vld.idx.msk [tilespmem:v16+s11+$0x0], $0xffff  }
0x1ba: {  	v10 =	vld.idx.msk [tilespmem:v10+s11+$0x0], $0xffff  }
0x1bb: {  	v50 =	vld.idx.msk [tilespmem:v9+s11+$0x0], $0xffff;
	v8 =	vadd.f32 v21, v8;
	v11 =	vadd.f32 v20, v11;
	v52 =	vunpack.i.l.bf16.f32 v17  }
0x1bc: {  	v51 =	vld.idx.msk [tilespmem:v9+s12+$0x0], $0xffff;
	v53 =	vunpack.i.u.bf16.f32 v17;
	v54 =	vunpack.i.l.bf16.f32 v12;
	v15 =	vmul.bf16 v15, v18  }
0x1bd: {  	v58 =	vunpack.i.u.bf16.f32 v12;
	v7 =	vadd.f32 v54, v7;
	v13 =	vmul.bf16 v13, v19  }
0x1be: {  	v3 =	vadd.f32 v58, v3;
	v55 =	vunpack.i.l.bf16.f32 v15;
	v61 =	vunpack.i.u.bf16.f32 v15  }
0x1bf: {  	v0 =	vmul.bf16 v0, v1;
	v56 =	vunpack.i.l.bf16.f32 v13;
	v10 =	vmul.bf16 v14, v10  }
0x1c0: {  	v13 =	vunpack.i.u.bf16.f32 v13;
	v4 =	vadd.f32 v55, v4;
	v2 =	vadd.f32 v61, v2  }
0x1c1: {  	v9 =	vmul.bf16 v51, v50;
	v6 =	vadd.f32 v56, v6;
	v5 =	vadd.f32 v13, v5  }
0x1c2: {  	v57 =	vunpack.i.u.bf16.f32 v0;
	v0 =	vunpack.i.l.bf16.f32 v0;
	v59 =	vunpack.i.u.bf16.f32 v10  }
0x1c3: {  	v60 =	vunpack.i.l.bf16.f32 v10;
	v4 =	vadd.f32 v52, v4;
	v1 =	vadd.f32 v53, v2  }
0x1c4: {  	v62 =	vunpack.i.l.bf16.f32 v9;
	v11 =	vadd.f32 v57, v11;
	v0 =	vadd.f32 v0, v8  }
0x1c5: {  	v9 =	vunpack.i.u.bf16.f32 v9;
	v6 =	vadd.f32 v60, v6;
	v5 =	vadd.f32 v59, v5  }
0x1c6: {  	v7 =	vadd.f32 v62, v7;
	v3 =	vadd.f32 v9, v3  }
0x1c7: {  	v1 =	vadd.f32 v1, v4;
	v63 =	vadd.f32 v5, v6  }
0x1c8: {  	s0 =	sadd.s32 $0x1, s0;
	v0 =	vadd.f32 v11, v0;
	v3 =	vadd.f32 v3, v7  }
0x1c9: {  	p0 =	sne.s32 s0, $0x5  }
.Ltmp10:
0x1ca: {  	v0 =	vadd.f32 v0, v63;
	v1 =	vadd.f32 v1, v3;
	(pc) =	sbr.rel @p0 .LBB2_20-.Ltmp10, $3  }
0x1cb: {  	_ = 	snop  }
0x1cc: {  	v0 =	vadd.f32 v1, v0;
	_ =	sdelay $0x1  }
0x1cd: {  	[tilespmem:s9+$0x13CE0] =	vst v0  }
0x1ce: {  	s1 =	sadd.s32 $0x1, s1  }
0x1cf: {  	p0 =	sne.s32 s1, s7  }
.Ltmp11:
0x1d0: {  	s0 =	simm.s32 $0x11620;
	(pc) =	sbr.rel @p0 .LBB2_1-.Ltmp11, $4  }
0x1d1: {  	[hbm4b:s6+s3] =	stream.linear.scatter [tilespmem:s0], [sflag:$0x9], $0x2710, $0x38;
	[tilespmem:$0x13D30] =	vst v63  }
0x1d2: {  	_ =	swait.ge [sflag:s8], $0x2710  }
0x1d3: {  	[sflag:s8] =	ssyncset.done $0x0  }
0x1d4: {  	[sflag:s8] =	ssyncadd.s32 $0xFFFFD8F0  }
0x1d5: {  	_ =	sfence.sel $0x180000  }
0x1d6: {  	[bflag:$0x0] =	sbarrier.arrive $0xFFFF  }
0x1d7: {  	_ =	strace $0x90000047  }
0x1d8: {  	s0 =	stileid.u32;
	[bflag:$0x2] =	sbarrier.arrive $0xFFFF  }
0x1d9: {  	p0 =	sne.s32 s0, $0x0;
	s0 =	rddreg [dreg:$0x1]  }
0x1da: {  	s0 =	sadd.s32 @!p0 $0x100000, s0  }
0x1db: {  	[sflag:s0] =	ssyncadd.tile.s32 @!p0 $0x1;
	_ =	shalt  }
.Lfunc_end2:
_tile_overlayer_lowered:
.L_overlay_start_2:
0x1dc: {  	(tag) =	ssettag $0x2  }
0x1dd: {  	s0 =	rddreg [dreg:$0x0];
	s2 =	stileid.u32  }
0x1de: {  	s1 =	rddreg [dreg:$0x1];
	p0 =	sne.s32 s2, $0x0  }
0x1df: {  	s3 =	rddreg [dreg:$0x2];
	[bflag:$0x3] =	sbarrier.arrive $0xFFFF;
	s2 =	simm.s32 @!p0 $0x1C09  }
0x1e0: {  	[timem:s3], [sflag:s2] =	dma.local @!p0 [hbm:s0], s1  }
0x1e1: {  	s0 =	simm.s32 @!p0 $0x9  }
0x1e2: {  	_ =	swait.ge @!p0 [sflag:s0], s1  }
0x1e3: {  	s1 =	ssub.s32 @!p0 $0x0, s1;
	[sflag:s0] =	ssyncset.done @!p0 $0x0  }
0x1e4: {  	[sflag:s0] =	ssyncadd.s32 @!p0 s1  }
0x1e5: {  	[bflag:$0x3] =	sbarrier.arrive $0xFFFF  }
0x1e6: {  	_ =	shalt  }

</sc_bundles>
